<compile_context>
chip_gen: v7x
topology: tpu7x:2x2x1
jax: 0.10.2.dev20260603
libtpu: 0.0.44.dev20260713+nightly
codegen_flags: <defaults>
</compile_context>

<pallas_src>
import functools

import jax
import jax.numpy as jnp
from jax import lax
from jax.experimental import pallas as pl
from jax.experimental.pallas import tpu as pltpu
from jax.experimental.pallas import tpu_sc as plsc

_N = 10000
_E = 320000
_D1 = 128
_D2 = 48
_NCLS = 40

_NC = 2
_NS = 16
_NW = _NC * _NS
_NPAD = 10240
_RPT = _NPAD // _NS
_EPT = _E // _NW
_K1 = 80
_K2 = 400

_mesh = plsc.VectorSubcoreMesh(core_axis_name="c", subcore_axis_name="s")


def _fill(ref, n, value):
    def body(i, carry):
        ref[pl.ds(i * 16, 16)] = jnp.full((16,), value, jnp.float32)
        return carry
    lax.fori_loop(0, n // 16, body, 0)


def _deg_body(src2_h, dst2_h, out_h, idx_v, ones_v, zed_v, dego_sp, degi_sp):
    cid = lax.axis_index("c")
    sid = lax.axis_index("s")
    wid = cid * _NS + sid
    r0 = sid * _RPT
    _fill(ones_v, _EPT, 1.0)
    _fill(zed_v, _RPT, 0.0)
    pltpu.sync_copy(zed_v, dego_sp.at[pl.ds(r0, _RPT)])
    pltpu.sync_copy(zed_v, degi_sp.at[pl.ds(r0, _RPT)])
    plsc.subcore_barrier()

    pltpu.sync_copy(src2_h.at[wid], idx_v)
    pltpu.sync_copy(ones_v, dego_sp.at[idx_v], add=True)
    pltpu.sync_copy(dst2_h.at[wid], idx_v)
    pltpu.sync_copy(ones_v, degi_sp.at[idx_v], add=True)
    plsc.subcore_barrier()
    pltpu.sync_copy(dego_sp.at[pl.ds(r0, _RPT)],
                    out_h.at[pl.ds(cid * _NPAD + r0, _RPT)])
    pltpu.sync_copy(degi_sp.at[pl.ds(r0, _RPT)],
                    out_h.at[pl.ds((2 + cid) * _NPAD + r0, _RPT)])


_deg_call = pl.kernel(
    _deg_body,
    mesh=_mesh,
    out_type=jax.ShapeDtypeStruct((4 * _NPAD,), jnp.float32),
    scratch_types=[
        pltpu.VMEM((_EPT,), jnp.int32),
        pltpu.VMEM((_EPT,), jnp.float32),
        pltpu.VMEM((_RPT,), jnp.float32),
        pltpu.VMEM_SHARED((_NPAD,), jnp.float32),
        pltpu.VMEM_SHARED((_NPAD,), jnp.float32),
    ],
    compiler_params=pltpu.CompilerParams(use_tc_tiling_on_sc=False),
)


def _seg_body(k, nch, d, h_h, src3_h, dst3_h, out_h,
              sidx_v, didx_v, rows0_v, rows1_v, acc_sp, g0, g1):
    cid = lax.axis_index("c")
    sid = lax.axis_index("s")
    wid = cid * _NS + sid
    r0 = sid * _RPT

    def zbody(i, carry):
        for dd in range(d // 16):
            rows0_v[i, pl.ds(dd * 16, 16)] = jnp.zeros((16,), jnp.float32)
        return carry
    lax.fori_loop(0, k, zbody, 0)
    off = 0
    while off < _RPT:
        step = min(k, _RPT - off)
        pltpu.sync_copy(rows0_v.at[pl.ds(0, step)],
                        acc_sp.at[pl.ds(r0 + off, step)])
        off += step

    pltpu.sync_copy(src3_h.at[wid], sidx_v)
    pltpu.sync_copy(dst3_h.at[wid], didx_v)
    plsc.subcore_barrier()

    dummy = h_h.at[pl.ds(0, k)]
    pltpu.async_copy(h_h.at[sidx_v.at[0]], rows0_v, g0)

    def body(i, carry):
        j0 = 2 * i
        pltpu.async_copy(h_h.at[sidx_v.at[j0 + 1]], rows1_v, g1)
        pltpu.make_async_copy(dummy, rows0_v, g0).wait()
        pltpu.sync_copy(rows0_v, acc_sp.at[didx_v.at[j0]], add=True)
        pltpu.async_copy(h_h.at[sidx_v.at[j0 + 2]], rows0_v, g0)
        pltpu.make_async_copy(dummy, rows1_v, g1).wait()
        pltpu.sync_copy(rows1_v, acc_sp.at[didx_v.at[j0 + 1]], add=True)
        return carry

    lax.fori_loop(0, (nch - 1) // 2, body, 0)
    pltpu.make_async_copy(dummy, rows0_v, g0).wait()
    pltpu.sync_copy(rows0_v, acc_sp.at[didx_v.at[nch - 1]], add=True)
    plsc.subcore_barrier()
    pltpu.sync_copy(acc_sp.at[pl.ds(r0, _RPT)],
                    out_h.at[pl.ds(cid * _NPAD + r0, _RPT)])


def _make_seg(d, k):
    nch = _EPT // k
    assert nch % 2 == 1 and k % 8 == 0
    return pl.kernel(
        functools.partial(_seg_body, k, nch, d),
        mesh=_mesh,
        out_type=jax.ShapeDtypeStruct((2 * _NPAD, d), jnp.float32),
        scratch_types=[
            pltpu.VMEM((nch, k), jnp.int32),
            pltpu.VMEM((nch, k), jnp.int32),
            pltpu.VMEM((k, d), jnp.float32),
            pltpu.VMEM((k, d), jnp.float32),
            pltpu.VMEM_SHARED((_NPAD, d), jnp.float32),
            pltpu.SemaphoreType.DMA,
            pltpu.SemaphoreType.DMA,
        ],
        compiler_params=pltpu.CompilerParams(use_tc_tiling_on_sc=False),
    )


_seg_d1 = _make_seg(_D1, _K1)
_seg_d2 = _make_seg(_D2, _K2)


def _h1_body(deg_ref, feat_ref, h1_ref):
    d = jnp.transpose(deg_ref[...])[:_N]
    deg_out = d[:, 0:1] + d[:, 1:2]
    norm_src = lax.rsqrt(jnp.maximum(deg_out, 1.0))
    h1_ref[...] = feat_ref[...] * norm_src


def _mid_body(aggp_ref, deg_ref, w1_ref, b1_ref, w2_ref, h2_ref):
    d = jnp.transpose(deg_ref[...])[:_N]
    deg_out = d[:, 0:1] + d[:, 1:2]
    deg_in = d[:, 2:3] + d[:, 3:4]
    norm_src = lax.rsqrt(jnp.maximum(deg_out, 1.0))
    norm_dst = lax.rsqrt(jnp.maximum(deg_in, 1.0))
    agg = aggp_ref[pl.ds(0, _N), :] + aggp_ref[pl.ds(_NPAD, _N), :]
    x1 = jnp.dot(agg, w1_ref[...], preferred_element_type=jnp.float32)
    x1 = jnp.maximum(x1 * norm_dst + b1_ref[...][None, :], 0.0)
    h2_ref[...] = jnp.dot(x1 * norm_src, w2_ref[...],
                          preferred_element_type=jnp.float32)


def _fin_body(aggp_ref, deg_ref, b2_ref, out_ref):
    d = jnp.transpose(deg_ref[...])[:_N]
    deg_in = d[:, 2:3] + d[:, 3:4]
    norm_dst = lax.rsqrt(jnp.maximum(deg_in, 1.0))
    agg = aggp_ref[pl.ds(0, _N), :] + aggp_ref[pl.ds(_NPAD, _N), :]
    res = agg[:, :_NCLS] * norm_dst + b2_ref[...][None, :]
    out_ref[...] = jnp.transpose(res)


def kernel(feat, edge_index, W1, b1, W2, b2):
    src = edge_index[0].astype(jnp.int32)
    dst = edge_index[1].astype(jnp.int32)
    src1 = src.reshape(_NW, _EPT // _K1, _K1)
    dst1 = dst.reshape(_NW, _EPT // _K1, _K1)
    src2 = src.reshape(_NW, _EPT // _K2, _K2)
    dst2 = dst.reshape(_NW, _EPT // _K2, _K2)

    deg4 = _deg_call(src.reshape(_NW, _EPT), dst.reshape(_NW, _EPT))
    degt = deg4.reshape(4, _NPAD)

    h1 = pl.pallas_call(
        _h1_body,
        out_shape=jax.ShapeDtypeStruct((_N, _D1), jnp.float32),
    )(degt, feat)

    aggp = _seg_d1(h1, src1, dst1)

    w2p = jnp.pad(W2, ((0, 0), (0, _D2 - _NCLS)))
    h2 = pl.pallas_call(
        _mid_body,
        out_shape=jax.ShapeDtypeStruct((_N, _D2), jnp.float32),
    )(aggp, degt, W1, b1, w2p)

    agg2p = _seg_d2(h2, src2, dst2)

    out_t = pl.pallas_call(
        _fin_body,
        out_shape=jax.ShapeDtypeStruct((_NCLS, _N), jnp.float32),
    )(agg2p, degt, b2)
    return jnp.transpose(out_t)

# --- scband reference (transcript-rebuilt; emitter-appended) ---
"""Pipeline reference for scband-dglgcn-58626303590442 (READ-ONLY COPY).

The authoritative reference and input builder live on the scoring server;
editing this copy changes nothing except your own understanding.
"""

import jax, jax.numpy as jnp
import numpy as np

N = 10000
E = 320000
IN_DIM = 128
HID = 128
NUM_CLASSES = 40


def setup_inputs(seed: int = 0) -> dict:
    key = jax.random.key(seed)
    k1, k2, k3, k4, k5, k6 = jax.random.split(key, 6)
    feat = jax.random.normal(k1, (N, IN_DIM), dtype=jnp.float32)
    edge_index = jax.random.randint(k2, (2, E), 0, N, dtype=jnp.int64)
    # GraphConv weights (glorot-like) and biases
    W1 = jax.random.normal(k3, (IN_DIM, HID), dtype=jnp.float32) * (1.0 / np.sqrt(IN_DIM))
    b1 = jnp.zeros((HID,), dtype=jnp.float32)
    W2 = jax.random.normal(k4, (HID, NUM_CLASSES), dtype=jnp.float32) * (1.0 / np.sqrt(HID))
    b2 = jnp.zeros((NUM_CLASSES,), dtype=jnp.float32)
    return {"feat": feat, "edge_index": edge_index, "W1": W1, "b1": b1, "W2": W2, "b2": b2}


def _graph_conv(x, src, dst, W, b):
    # DGL GraphConv with norm='both':
    #   h = x * out_deg^{-1/2}; (matmul before/after aggregation depending on dims);
    #   agg = scatter-add of h[src] into dst; out = agg * in_deg^{-1/2} + b
    ones = jnp.ones((src.shape[0],), dtype=x.dtype)
    deg_out = jax.ops.segment_sum(ones, src, num_segments=N)
    deg_in = jax.ops.segment_sum(ones, dst, num_segments=N)
    norm_src = jax.lax.rsqrt(jnp.clip(deg_out, 1.0, None))
    norm_dst = jax.lax.rsqrt(jnp.clip(deg_in, 1.0, None))
    h = x * norm_src[:, None]
    if W.shape[0] > W.shape[1]:
        # mult W first to reduce message size (DGL behavior when in_feats > out_feats)
        h = h @ W
        agg = jax.ops.segment_sum(h[src], dst, num_segments=N)
    else:
        agg = jax.ops.segment_sum(h[src], dst, num_segments=N)
        agg = agg @ W
    return agg * norm_dst[:, None] + b


def reference(feat, edge_index, W1, b1, W2, b2):
    src = edge_index[0]
    dst = edge_index[1]
    x = _graph_conv(feat, src, dst, W1, b1)
    x = jax.nn.relu(x)
    x = _graph_conv(x, src, dst, W2, b2)
    return x

if __name__ == "__main__":
    import jax
    _d = setup_inputs()
    print(jax.jit(kernel)(*tuple(_d.values())))

</pallas_src>

<mosaic_0001>
#map = affine_map<(d0, d1) -> (0, 0)>
#map1 = affine_map<(d0, d1) -> (0, 0, 0)>
module attributes {stable_mosaic.version = 14 : i64} {
  func.func @_seg_body(%arg0: i32, %arg1: i32, %arg2: memref<10000x128xf32, #tpu.memory_space<hbm>>, %arg3: memref<32x125x80xi32, #tpu.memory_space<hbm>>, %arg4: memref<32x125x80xi32, #tpu.memory_space<hbm>>, %arg5: memref<20480x128xf32, #tpu.memory_space<hbm>>, %arg6: memref<125x80xi32, #tpu.memory_space<vmem>>, %arg7: memref<125x80xi32, #tpu.memory_space<vmem>>, %arg8: memref<80x128xf32, #tpu.memory_space<vmem>>, %arg9: memref<80x128xf32, #tpu.memory_space<vmem>>, %arg10: memref<10240x128xf32, #tpu.memory_space<vmem_shared>>, %arg11: memref<!tpu.dma_semaphore, #tpu.memory_space<semaphore_mem>>, %arg12: memref<!tpu.dma_semaphore, #tpu.memory_space<semaphore_mem>>) attributes {dimension_semantics = [#tpu.dimension_semantics<core_parallel>, #tpu.dimension_semantics<subcore_parallel>], iteration_bounds = array<i64: 2, 16>, scalar_prefetch = 0 : i64, scratch_operands = 7 : i64, tpu.core_type = #tpu.core_type<sc_vector_subcore>, window_params = [{transform_indices = #map}, {transform_indices = #map1}, {transform_indices = #map1}, {transform_indices = #map}]} {
    %mul3A = arith.constant 16 : i32
    %mul3A_0 = arith.muli %arg0, %mul3A : i32
    %add3A = arith.addi %mul3A_0, %arg1 : i32
    %mul3A_1 = arith.constant 640 : i32
    %mul3A_2 = arith.muli %arg1, %mul3A_1 : i32
    %scan3A = arith.constant 0 : i32
    %scan3A_3 = arith.constant 0 : i32
    %scan3A_4 = arith.constant 80 : i32
    %scan3A_5 = arith.addi %scan3A_3, %scan3A_4 : i32
    %scan3A_6 = arith.constant 1 : i32
    scf.for %scan3A_45 = %scan3A_3 to %scan3A_5 step %scan3A_6  : i32 {
      %broadcast_in_dim3A = arith.constant 0.000000e+00 : f32
      %broadcast_in_dim3A_46 = vector.broadcast %broadcast_in_dim3A : f32 to vector<16xf32>
      %swap3A = arith.index_cast %scan3A_45 : i32 to index
      %swap3A_47 = arith.constant 0 : index
      %swap3A_48 = tpu.vector_load %arg8[%swap3A, %swap3A_47] {strides = array<i32>} : memref<80x128xf32, #tpu.memory_space<vmem>>, vector<1x16xf32>,
      %swap3A_49 = vector.shape_cast %swap3A_48 : vector<1x16xf32> to vector<16xf32>
      %swap3A_50 = vector.shape_cast %broadcast_in_dim3A_46 : vector<16xf32> to vector<1x16xf32>
      tpu.vector_store %arg8[%swap3A, %swap3A_47], %swap3A_50 {strides = array<i32>} : memref<80x128xf32, #tpu.memory_space<vmem>>, vector<1x16xf32>,
      %broadcast_in_dim3A_51 = arith.constant 0.000000e+00 : f32
      %broadcast_in_dim3A_52 = vector.broadcast %broadcast_in_dim3A_51 : f32 to vector<16xf32>
      %swap3A_53 = arith.index_cast %scan3A_45 : i32 to index
      %swap3A_54 = arith.constant 16 : index
      %swap3A_55 = tpu.vector_load %arg8[%swap3A_53, %swap3A_54] {strides = array<i32>} : memref<80x128xf32, #tpu.memory_space<vmem>>, vector<1x16xf32>,
      %swap3A_56 = vector.shape_cast %swap3A_55 : vector<1x16xf32> to vector<16xf32>
      %swap3A_57 = vector.shape_cast %broadcast_in_dim3A_52 : vector<16xf32> to vector<1x16xf32>
      tpu.vector_store %arg8[%swap3A_53, %swap3A_54], %swap3A_57 {strides = array<i32>} : memref<80x128xf32, #tpu.memory_space<vmem>>, vector<1x16xf32>,
      %broadcast_in_dim3A_58 = arith.constant 0.000000e+00 : f32
      %broadcast_in_dim3A_59 = vector.broadcast %broadcast_in_dim3A_58 : f32 to vector<16xf32>
      %swap3A_60 = arith.index_cast %scan3A_45 : i32 to index
      %swap3A_61 = arith.constant 32 : index
      %swap3A_62 = tpu.vector_load %arg8[%swap3A_60, %swap3A_61] {strides = array<i32>} : memref<80x128xf32, #tpu.memory_space<vmem>>, vector<1x16xf32>,
      %swap3A_63 = vector.shape_cast %swap3A_62 : vector<1x16xf32> to vector<16xf32>
      %swap3A_64 = vector.shape_cast %broadcast_in_dim3A_59 : vector<16xf32> to vector<1x16xf32>
      tpu.vector_store %arg8[%swap3A_60, %swap3A_61], %swap3A_64 {strides = array<i32>} : memref<80x128xf32, #tpu.memory_space<vmem>>, vector<1x16xf32>,
      %broadcast_in_dim3A_65 = arith.constant 0.000000e+00 : f32
      %broadcast_in_dim3A_66 = vector.broadcast %broadcast_in_dim3A_65 : f32 to vector<16xf32>
      %swap3A_67 = arith.index_cast %scan3A_45 : i32 to index
      %swap3A_68 = arith.constant 48 : index
      %swap3A_69 = tpu.vector_load %arg8[%swap3A_67, %swap3A_68] {strides = array<i32>} : memref<80x128xf32, #tpu.memory_space<vmem>>, vector<1x16xf32>,
      %swap3A_70 = vector.shape_cast %swap3A_69 : vector<1x16xf32> to vector<16xf32>
      %swap3A_71 = vector.shape_cast %broadcast_in_dim3A_66 : vector<16xf32> to vector<1x16xf32>
      tpu.vector_store %arg8[%swap3A_67, %swap3A_68], %swap3A_71 {strides = array<i32>} : memref<80x128xf32, #tpu.memory_space<vmem>>, vector<1x16xf32>,
      %broadcast_in_dim3A_72 = arith.constant 0.000000e+00 : f32
      %broadcast_in_dim3A_73 = vector.broadcast %broadcast_in_dim3A_72 : f32 to vector<16xf32>
      %swap3A_74 = arith.index_cast %scan3A_45 : i32 to index
      %swap3A_75 = arith.constant 64 : index
      %swap3A_76 = tpu.vector_load %arg8[%swap3A_74, %swap3A_75] {strides = array<i32>} : memref<80x128xf32, #tpu.memory_space<vmem>>, vector<1x16xf32>,
      %swap3A_77 = vector.shape_cast %swap3A_76 : vector<1x16xf32> to vector<16xf32>
      %swap3A_78 = vector.shape_cast %broadcast_in_dim3A_73 : vector<16xf32> to vector<1x16xf32>
      tpu.vector_store %arg8[%swap3A_74, %swap3A_75], %swap3A_78 {strides = array<i32>} : memref<80x128xf32, #tpu.memory_space<vmem>>, vector<1x16xf32>,
      %broadcast_in_dim3A_79 = arith.constant 0.000000e+00 : f32
      %broadcast_in_dim3A_80 = vector.broadcast %broadcast_in_dim3A_79 : f32 to vector<16xf32>
      %swap3A_81 = arith.index_cast %scan3A_45 : i32 to index
      %swap3A_82 = arith.constant 80 : index
      %swap3A_83 = tpu.vector_load %arg8[%swap3A_81, %swap3A_82] {strides = array<i32>} : memref<80x128xf32, #tpu.memory_space<vmem>>, vector<1x16xf32>,
      %swap3A_84 = vector.shape_cast %swap3A_83 : vector<1x16xf32> to vector<16xf32>
      %swap3A_85 = vector.shape_cast %broadcast_in_dim3A_80 : vector<16xf32> to vector<1x16xf32>
      tpu.vector_store %arg8[%swap3A_81, %swap3A_82], %swap3A_85 {strides = array<i32>} : memref<80x128xf32, #tpu.memory_space<vmem>>, vector<1x16xf32>,
      %broadcast_in_dim3A_86 = arith.constant 0.000000e+00 : f32
      %broadcast_in_dim3A_87 = vector.broadcast %broadcast_in_dim3A_86 : f32 to vector<16xf32>
      %swap3A_88 = arith.index_cast %scan3A_45 : i32 to index
      %swap3A_89 = arith.constant 96 : index
      %swap3A_90 = tpu.vector_load %arg8[%swap3A_88, %swap3A_89] {strides = array<i32>} : memref<80x128xf32, #tpu.memory_space<vmem>>, vector<1x16xf32>,
      %swap3A_91 = vector.shape_cast %swap3A_90 : vector<1x16xf32> to vector<16xf32>
      %swap3A_92 = vector.shape_cast %broadcast_in_dim3A_87 : vector<16xf32> to vector<1x16xf32>
      tpu.vector_store %arg8[%swap3A_88, %swap3A_89], %swap3A_92 {strides = array<i32>} : memref<80x128xf32, #tpu.memory_space<vmem>>, vector<1x16xf32>,
      %broadcast_in_dim3A_93 = arith.constant 0.000000e+00 : f32
      %broadcast_in_dim3A_94 = vector.broadcast %broadcast_in_dim3A_93 : f32 to vector<16xf32>
      %swap3A_95 = arith.index_cast %scan3A_45 : i32 to index
      %swap3A_96 = arith.constant 112 : index
      %swap3A_97 = tpu.vector_load %arg8[%swap3A_95, %swap3A_96] {strides = array<i32>} : memref<80x128xf32, #tpu.memory_space<vmem>>, vector<1x16xf32>,
      %swap3A_98 = vector.shape_cast %swap3A_97 : vector<1x16xf32> to vector<16xf32>
      %swap3A_99 = vector.shape_cast %broadcast_in_dim3A_94 : vector<16xf32> to vector<1x16xf32>
      tpu.vector_store %arg8[%swap3A_95, %swap3A_96], %swap3A_99 {strides = array<i32>} : memref<80x128xf32, #tpu.memory_space<vmem>>, vector<1x16xf32>,
    }
    %scan3A_7 = arith.constant 80 : i32
    %add3A_8 = arith.constant 0 : i32
    %add3A_9 = arith.addi %mul3A_2, %add3A_8 : i32
    "tpu.region"() ({
      %run_scoped3A_45 = tpu.sem_alloc : memref<!tpu.dma_semaphore, #tpu.memory_space<semaphore_mem>>
      %dma_start3A_46 = arith.constant 0 : i32
      %dma_start3A_47 = arith.constant 0 : i32
      %dma_start3A_48 = tpu.memref_slice %arg8[%dma_start3A_46, %dma_start3A_47] : memref<80x128xf32, #tpu.memory_space<vmem>> -> memref<80x128xf32, #tpu.memory_space<vmem>>
      %dma_start3A_49 = arith.constant 0 : i32
      %dma_start3A_50 = tpu.memref_slice %arg10[%add3A_9, %dma_start3A_49] : memref<10240x128xf32, #tpu.memory_space<vmem_shared>> -> memref<80x128xf32, #tpu.memory_space<vmem_shared>>
      %dma_start3A_51 = arith.constant 0 : i32
      %dma_start3A_52 = tpu.memref_slice %arg10[%add3A_9, %dma_start3A_51] : memref<10240x128xf32, #tpu.memory_space<vmem_shared>> -> memref<80x128xf32, #tpu.memory_space<vmem_shared>>
      %dma_start3A_53 = arith.constant 0 : i32
      %dma_start3A_54 = arith.constant 0 : i32
      %dma_start3A_55 = tpu.memref_slice %arg8[%dma_start3A_53, %dma_start3A_54] : memref<80x128xf32, #tpu.memory_space<vmem>> -> memref<80x128xf32, #tpu.memory_space<vmem>>
      tpu.enqueue_dma source(%dma_start3A_55 : memref<80x128xf32, #tpu.memory_space<vmem>>) target(%dma_start3A_52 : memref<80x128xf32, #tpu.memory_space<vmem_shared>>) target_semaphore(%run_scoped3A_45 : memref<!tpu.dma_semaphore, #tpu.memory_space<semaphore_mem>>)
      %dma_wait3A_56 = arith.constant 0 : i32
      %dma_wait3A_57 = arith.constant 0 : i32
      %dma_wait3A_58 = tpu.memref_slice %arg8[%dma_wait3A_56, %dma_wait3A_57] : memref<80x128xf32, #tpu.memory_space<vmem>> -> memref<80x128xf32, #tpu.memory_space<vmem>>
      %dma_wait3A_59 = arith.constant 0 : i32
      %dma_wait3A_60 = tpu.memref_slice %arg10[%add3A_9, %dma_wait3A_59] : memref<10240x128xf32, #tpu.memory_space<vmem_shared>> -> memref<80x128xf32, #tpu.memory_space<vmem_shared>>
      %dma_wait3A_61 = arith.constant 0 : i32
      %dma_wait3A_62 = tpu.memref_slice %arg10[%add3A_9, %dma_wait3A_61] : memref<10240x128xf32, #tpu.memory_space<vmem_shared>> -> memref<80x128xf32, #tpu.memory_space<vmem_shared>>
      %dma_wait3A_63 = arith.constant 0 : i32
      %dma_wait3A_64 = arith.constant 0 : i32
      %dma_wait3A_65 = tpu.memref_slice %arg8[%dma_wait3A_63, %dma_wait3A_64] : memref<80x128xf32, #tpu.memory_space<vmem>> -> memref<80x128xf32, #tpu.memory_space<vmem>>
      tpu.wait_dma2 semaphore(%run_scoped3A_45 : memref<!tpu.dma_semaphore, #tpu.memory_space<semaphore_mem>>) src(%dma_wait3A_65 : memref<80x128xf32, #tpu.memory_space<vmem>>) dst(%dma_wait3A_62 : memref<80x128xf32, #tpu.memory_space<vmem_shared>>)
      tpu.yield
    }) : () -> ()
    %add3A_10 = arith.constant 80 : i32
    %add3A_11 = arith.addi %mul3A_2, %add3A_10 : i32
    "tpu.region"() ({
      %run_scoped3A_45 = tpu.sem_alloc : memref<!tpu.dma_semaphore, #tpu.memory_space<semaphore_mem>>
      %dma_start3A_46 = arith.constant 0 : i32
      %dma_start3A_47 = arith.constant 0 : i32
      %dma_start3A_48 = tpu.memref_slice %arg8[%dma_start3A_46, %dma_start3A_47] : memref<80x128xf32, #tpu.memory_space<vmem>> -> memref<80x128xf32, #tpu.memory_space<vmem>>
      %dma_start3A_49 = arith.constant 0 : i32
      %dma_start3A_50 = tpu.memref_slice %arg10[%add3A_11, %dma_start3A_49] : memref<10240x128xf32, #tpu.memory_space<vmem_shared>> -> memref<80x128xf32, #tpu.memory_space<vmem_shared>>
      %dma_start3A_51 = arith.constant 0 : i32
      %dma_start3A_52 = tpu.memref_slice %arg10[%add3A_11, %dma_start3A_51] : memref<10240x128xf32, #tpu.memory_space<vmem_shared>> -> memref<80x128xf32, #tpu.memory_space<vmem_shared>>
      %dma_start3A_53 = arith.constant 0 : i32
      %dma_start3A_54 = arith.constant 0 : i32
      %dma_start3A_55 = tpu.memref_slice %arg8[%dma_start3A_53, %dma_start3A_54] : memref<80x128xf32, #tpu.memory_space<vmem>> -> memref<80x128xf32, #tpu.memory_space<vmem>>
      tpu.enqueue_dma source(%dma_start3A_55 : memref<80x128xf32, #tpu.memory_space<vmem>>) target(%dma_start3A_52 : memref<80x128xf32, #tpu.memory_space<vmem_shared>>) target_semaphore(%run_scoped3A_45 : memref<!tpu.dma_semaphore, #tpu.memory_space<semaphore_mem>>)
      %dma_wait3A_56 = arith.constant 0 : i32
      %dma_wait3A_57 = arith.constant 0 : i32
      %dma_wait3A_58 = tpu.memref_slice %arg8[%dma_wait3A_56, %dma_wait3A_57] : memref<80x128xf32, #tpu.memory_space<vmem>> -> memref<80x128xf32, #tpu.memory_space<vmem>>
      %dma_wait3A_59 = arith.constant 0 : i32
      %dma_wait3A_60 = tpu.memref_slice %arg10[%add3A_11, %dma_wait3A_59] : memref<10240x128xf32, #tpu.memory_space<vmem_shared>> -> memref<80x128xf32, #tpu.memory_space<vmem_shared>>
      %dma_wait3A_61 = arith.constant 0 : i32
      %dma_wait3A_62 = tpu.memref_slice %arg10[%add3A_11, %dma_wait3A_61] : memref<10240x128xf32, #tpu.memory_space<vmem_shared>> -> memref<80x128xf32, #tpu.memory_space<vmem_shared>>
      %dma_wait3A_63 = arith.constant 0 : i32
      %dma_wait3A_64 = arith.constant 0 : i32
      %dma_wait3A_65 = tpu.memref_slice %arg8[%dma_wait3A_63, %dma_wait3A_64] : memref<80x128xf32, #tpu.memory_space<vmem>> -> memref<80x128xf32, #tpu.memory_space<vmem>>
      tpu.wait_dma2 semaphore(%run_scoped3A_45 : memref<!tpu.dma_semaphore, #tpu.memory_space<semaphore_mem>>) src(%dma_wait3A_65 : memref<80x128xf32, #tpu.memory_space<vmem>>) dst(%dma_wait3A_62 : memref<80x128xf32, #tpu.memory_space<vmem_shared>>)
      tpu.yield
    }) : () -> ()
    %add3A_12 = arith.constant 160 : i32
    %add3A_13 = arith.addi %mul3A_2, %add3A_12 : i32
    "tpu.region"() ({
      %run_scoped3A_45 = tpu.sem_alloc : memref<!tpu.dma_semaphore, #tpu.memory_space<semaphore_mem>>
      %dma_start3A_46 = arith.constant 0 : i32
      %dma_start3A_47 = arith.constant 0 : i32
      %dma_start3A_48 = tpu.memref_slice %arg8[%dma_start3A_46, %dma_start3A_47] : memref<80x128xf32, #tpu.memory_space<vmem>> -> memref<80x128xf32, #tpu.memory_space<vmem>>
      %dma_start3A_49 = arith.constant 0 : i32
      %dma_start3A_50 = tpu.memref_slice %arg10[%add3A_13, %dma_start3A_49] : memref<10240x128xf32, #tpu.memory_space<vmem_shared>> -> memref<80x128xf32, #tpu.memory_space<vmem_shared>>
      %dma_start3A_51 = arith.constant 0 : i32
      %dma_start3A_52 = tpu.memref_slice %arg10[%add3A_13, %dma_start3A_51] : memref<10240x128xf32, #tpu.memory_space<vmem_shared>> -> memref<80x128xf32, #tpu.memory_space<vmem_shared>>
      %dma_start3A_53 = arith.constant 0 : i32
      %dma_start3A_54 = arith.constant 0 : i32
      %dma_start3A_55 = tpu.memref_slice %arg8[%dma_start3A_53, %dma_start3A_54] : memref<80x128xf32, #tpu.memory_space<vmem>> -> memref<80x128xf32, #tpu.memory_space<vmem>>
      tpu.enqueue_dma source(%dma_start3A_55 : memref<80x128xf32, #tpu.memory_space<vmem>>) target(%dma_start3A_52 : memref<80x128xf32, #tpu.memory_space<vmem_shared>>) target_semaphore(%run_scoped3A_45 : memref<!tpu.dma_semaphore, #tpu.memory_space<semaphore_mem>>)
      %dma_wait3A_56 = arith.constant 0 : i32
      %dma_wait3A_57 = arith.constant 0 : i32
      %dma_wait3A_58 = tpu.memref_slice %arg8[%dma_wait3A_56, %dma_wait3A_57] : memref<80x128xf32, #tpu.memory_space<vmem>> -> memref<80x128xf32, #tpu.memory_space<vmem>>
      %dma_wait3A_59 = arith.constant 0 : i32
      %dma_wait3A_60 = tpu.memref_slice %arg10[%add3A_13, %dma_wait3A_59] : memref<10240x128xf32, #tpu.memory_space<vmem_shared>> -> memref<80x128xf32, #tpu.memory_space<vmem_shared>>
      %dma_wait3A_61 = arith.constant 0 : i32
      %dma_wait3A_62 = tpu.memref_slice %arg10[%add3A_13, %dma_wait3A_61] : memref<10240x128xf32, #tpu.memory_space<vmem_shared>> -> memref<80x128xf32, #tpu.memory_space<vmem_shared>>
      %dma_wait3A_63 = arith.constant 0 : i32
      %dma_wait3A_64 = arith.constant 0 : i32
      %dma_wait3A_65 = tpu.memref_slice %arg8[%dma_wait3A_63, %dma_wait3A_64] : memref<80x128xf32, #tpu.memory_space<vmem>> -> memref<80x128xf32, #tpu.memory_space<vmem>>
      tpu.wait_dma2 semaphore(%run_scoped3A_45 : memref<!tpu.dma_semaphore, #tpu.memory_space<semaphore_mem>>) src(%dma_wait3A_65 : memref<80x128xf32, #tpu.memory_space<vmem>>) dst(%dma_wait3A_62 : memref<80x128xf32, #tpu.memory_space<vmem_shared>>)
      tpu.yield
    }) : () -> ()
    %add3A_14 = arith.constant 240 : i32
    %add3A_15 = arith.addi %mul3A_2, %add3A_14 : i32
    "tpu.region"() ({
      %run_scoped3A_45 = tpu.sem_alloc : memref<!tpu.dma_semaphore, #tpu.memory_space<semaphore_mem>>
      %dma_start3A_46 = arith.constant 0 : i32
      %dma_start3A_47 = arith.constant 0 : i32
      %dma_start3A_48 = tpu.memref_slice %arg8[%dma_start3A_46, %dma_start3A_47] : memref<80x128xf32, #tpu.memory_space<vmem>> -> memref<80x128xf32, #tpu.memory_space<vmem>>
      %dma_start3A_49 = arith.constant 0 : i32
      %dma_start3A_50 = tpu.memref_slice %arg10[%add3A_15, %dma_start3A_49] : memref<10240x128xf32, #tpu.memory_space<vmem_shared>> -> memref<80x128xf32, #tpu.memory_space<vmem_shared>>
      %dma_start3A_51 = arith.constant 0 : i32
      %dma_start3A_52 = tpu.memref_slice %arg10[%add3A_15, %dma_start3A_51] : memref<10240x128xf32, #tpu.memory_space<vmem_shared>> -> memref<80x128xf32, #tpu.memory_space<vmem_shared>>
      %dma_start3A_53 = arith.constant 0 : i32
      %dma_start3A_54 = arith.constant 0 : i32
      %dma_start3A_55 = tpu.memref_slice %arg8[%dma_start3A_53, %dma_start3A_54] : memref<80x128xf32, #tpu.memory_space<vmem>> -> memref<80x128xf32, #tpu.memory_space<vmem>>
      tpu.enqueue_dma source(%dma_start3A_55 : memref<80x128xf32, #tpu.memory_space<vmem>>) target(%dma_start3A_52 : memref<80x128xf32, #tpu.memory_space<vmem_shared>>) target_semaphore(%run_scoped3A_45 : memref<!tpu.dma_semaphore, #tpu.memory_space<semaphore_mem>>)
      %dma_wait3A_56 = arith.constant 0 : i32
      %dma_wait3A_57 = arith.constant 0 : i32
      %dma_wait3A_58 = tpu.memref_slice %arg8[%dma_wait3A_56, %dma_wait3A_57] : memref<80x128xf32, #tpu.memory_space<vmem>> -> memref<80x128xf32, #tpu.memory_space<vmem>>
      %dma_wait3A_59 = arith.constant 0 : i32
      %dma_wait3A_60 = tpu.memref_slice %arg10[%add3A_15, %dma_wait3A_59] : memref<10240x128xf32, #tpu.memory_space<vmem_shared>> -> memref<80x128xf32, #tpu.memory_space<vmem_shared>>
      %dma_wait3A_61 = arith.constant 0 : i32
      %dma_wait3A_62 = tpu.memref_slice %arg10[%add3A_15, %dma_wait3A_61] : memref<10240x128xf32, #tpu.memory_space<vmem_shared>> -> memref<80x128xf32, #tpu.memory_space<vmem_shared>>
      %dma_wait3A_63 = arith.constant 0 : i32
      %dma_wait3A_64 = arith.constant 0 : i32
      %dma_wait3A_65 = tpu.memref_slice %arg8[%dma_wait3A_63, %dma_wait3A_64] : memref<80x128xf32, #tpu.memory_space<vmem>> -> memref<80x128xf32, #tpu.memory_space<vmem>>
      tpu.wait_dma2 semaphore(%run_scoped3A_45 : memref<!tpu.dma_semaphore, #tpu.memory_space<semaphore_mem>>) src(%dma_wait3A_65 : memref<80x128xf32, #tpu.memory_space<vmem>>) dst(%dma_wait3A_62 : memref<80x128xf32, #tpu.memory_space<vmem_shared>>)
      tpu.yield
    }) : () -> ()
    %add3A_16 = arith.constant 320 : i32
    %add3A_17 = arith.addi %mul3A_2, %add3A_16 : i32
    "tpu.region"() ({
      %run_scoped3A_45 = tpu.sem_alloc : memref<!tpu.dma_semaphore, #tpu.memory_space<semaphore_mem>>
      %dma_start3A_46 = arith.constant 0 : i32
      %dma_start3A_47 = arith.constant 0 : i32
      %dma_start3A_48 = tpu.memref_slice %arg8[%dma_start3A_46, %dma_start3A_47] : memref<80x128xf32, #tpu.memory_space<vmem>> -> memref<80x128xf32, #tpu.memory_space<vmem>>
      %dma_start3A_49 = arith.constant 0 : i32
      %dma_start3A_50 = tpu.memref_slice %arg10[%add3A_17, %dma_start3A_49] : memref<10240x128xf32, #tpu.memory_space<vmem_shared>> -> memref<80x128xf32, #tpu.memory_space<vmem_shared>>
      %dma_start3A_51 = arith.constant 0 : i32
      %dma_start3A_52 = tpu.memref_slice %arg10[%add3A_17, %dma_start3A_51] : memref<10240x128xf32, #tpu.memory_space<vmem_shared>> -> memref<80x128xf32, #tpu.memory_space<vmem_shared>>
      %dma_start3A_53 = arith.constant 0 : i32
      %dma_start3A_54 = arith.constant 0 : i32
      %dma_start3A_55 = tpu.memref_slice %arg8[%dma_start3A_53, %dma_start3A_54] : memref<80x128xf32, #tpu.memory_space<vmem>> -> memref<80x128xf32, #tpu.memory_space<vmem>>
      tpu.enqueue_dma source(%dma_start3A_55 : memref<80x128xf32, #tpu.memory_space<vmem>>) target(%dma_start3A_52 : memref<80x128xf32, #tpu.memory_space<vmem_shared>>) target_semaphore(%run_scoped3A_45 : memref<!tpu.dma_semaphore, #tpu.memory_space<semaphore_mem>>)
      %dma_wait3A_56 = arith.constant 0 : i32
      %dma_wait3A_57 = arith.constant 0 : i32
      %dma_wait3A_58 = tpu.memref_slice %arg8[%dma_wait3A_56, %dma_wait3A_57] : memref<80x128xf32, #tpu.memory_space<vmem>> -> memref<80x128xf32, #tpu.memory_space<vmem>>
      %dma_wait3A_59 = arith.constant 0 : i32
      %dma_wait3A_60 = tpu.memref_slice %arg10[%add3A_17, %dma_wait3A_59] : memref<10240x128xf32, #tpu.memory_space<vmem_shared>> -> memref<80x128xf32, #tpu.memory_space<vmem_shared>>
      %dma_wait3A_61 = arith.constant 0 : i32
      %dma_wait3A_62 = tpu.memref_slice %arg10[%add3A_17, %dma_wait3A_61] : memref<10240x128xf32, #tpu.memory_space<vmem_shared>> -> memref<80x128xf32, #tpu.memory_space<vmem_shared>>
      %dma_wait3A_63 = arith.constant 0 : i32
      %dma_wait3A_64 = arith.constant 0 : i32
      %dma_wait3A_65 = tpu.memref_slice %arg8[%dma_wait3A_63, %dma_wait3A_64] : memref<80x128xf32, #tpu.memory_space<vmem>> -> memref<80x128xf32, #tpu.memory_space<vmem>>
      tpu.wait_dma2 semaphore(%run_scoped3A_45 : memref<!tpu.dma_semaphore, #tpu.memory_space<semaphore_mem>>) src(%dma_wait3A_65 : memref<80x128xf32, #tpu.memory_space<vmem>>) dst(%dma_wait3A_62 : memref<80x128xf32, #tpu.memory_space<vmem_shared>>)
      tpu.yield
    }) : () -> ()
    %add3A_18 = arith.constant 400 : i32
    %add3A_19 = arith.addi %mul3A_2, %add3A_18 : i32
    "tpu.region"() ({
      %run_scoped3A_45 = tpu.sem_alloc : memref<!tpu.dma_semaphore, #tpu.memory_space<semaphore_mem>>
      %dma_start3A_46 = arith.constant 0 : i32
      %dma_start3A_47 = arith.constant 0 : i32
      %dma_start3A_48 = tpu.memref_slice %arg8[%dma_start3A_46, %dma_start3A_47] : memref<80x128xf32, #tpu.memory_space<vmem>> -> memref<80x128xf32, #tpu.memory_space<vmem>>
      %dma_start3A_49 = arith.constant 0 : i32
      %dma_start3A_50 = tpu.memref_slice %arg10[%add3A_19, %dma_start3A_49] : memref<10240x128xf32, #tpu.memory_space<vmem_shared>> -> memref<80x128xf32, #tpu.memory_space<vmem_shared>>
      %dma_start3A_51 = arith.constant 0 : i32
      %dma_start3A_52 = tpu.memref_slice %arg10[%add3A_19, %dma_start3A_51] : memref<10240x128xf32, #tpu.memory_space<vmem_shared>> -> memref<80x128xf32, #tpu.memory_space<vmem_shared>>
      %dma_start3A_53 = arith.constant 0 : i32
      %dma_start3A_54 = arith.constant 0 : i32
      %dma_start3A_55 = tpu.memref_slice %arg8[%dma_start3A_53, %dma_start3A_54] : memref<80x128xf32, #tpu.memory_space<vmem>> -> memref<80x128xf32, #tpu.memory_space<vmem>>
      tpu.enqueue_dma source(%dma_start3A_55 : memref<80x128xf32, #tpu.memory_space<vmem>>) target(%dma_start3A_52 : memref<80x128xf32, #tpu.memory_space<vmem_shared>>) target_semaphore(%run_scoped3A_45 : memref<!tpu.dma_semaphore, #tpu.memory_space<semaphore_mem>>)
      %dma_wait3A_56 = arith.constant 0 : i32
      %dma_wait3A_57 = arith.constant 0 : i32
      %dma_wait3A_58 = tpu.memref_slice %arg8[%dma_wait3A_56, %dma_wait3A_57] : memref<80x128xf32, #tpu.memory_space<vmem>> -> memref<80x128xf32, #tpu.memory_space<vmem>>
      %dma_wait3A_59 = arith.constant 0 : i32
      %dma_wait3A_60 = tpu.memref_slice %arg10[%add3A_19, %dma_wait3A_59] : memref<10240x128xf32, #tpu.memory_space<vmem_shared>> -> memref<80x128xf32, #tpu.memory_space<vmem_shared>>
      %dma_wait3A_61 = arith.constant 0 : i32
      %dma_wait3A_62 = tpu.memref_slice %arg10[%add3A_19, %dma_wait3A_61] : memref<10240x128xf32, #tpu.memory_space<vmem_shared>> -> memref<80x128xf32, #tpu.memory_space<vmem_shared>>
      %dma_wait3A_63 = arith.constant 0 : i32
      %dma_wait3A_64 = arith.constant 0 : i32
      %dma_wait3A_65 = tpu.memref_slice %arg8[%dma_wait3A_63, %dma_wait3A_64] : memref<80x128xf32, #tpu.memory_space<vmem>> -> memref<80x128xf32, #tpu.memory_space<vmem>>
      tpu.wait_dma2 semaphore(%run_scoped3A_45 : memref<!tpu.dma_semaphore, #tpu.memory_space<semaphore_mem>>) src(%dma_wait3A_65 : memref<80x128xf32, #tpu.memory_space<vmem>>) dst(%dma_wait3A_62 : memref<80x128xf32, #tpu.memory_space<vmem_shared>>)
      tpu.yield
    }) : () -> ()
    %add3A_20 = arith.constant 480 : i32
    %add3A_21 = arith.addi %mul3A_2, %add3A_20 : i32
    "tpu.region"() ({
      %run_scoped3A_45 = tpu.sem_alloc : memref<!tpu.dma_semaphore, #tpu.memory_space<semaphore_mem>>
      %dma_start3A_46 = arith.constant 0 : i32
      %dma_start3A_47 = arith.constant 0 : i32
      %dma_start3A_48 = tpu.memref_slice %arg8[%dma_start3A_46, %dma_start3A_47] : memref<80x128xf32, #tpu.memory_space<vmem>> -> memref<80x128xf32, #tpu.memory_space<vmem>>
      %dma_start3A_49 = arith.constant 0 : i32
      %dma_start3A_50 = tpu.memref_slice %arg10[%add3A_21, %dma_start3A_49] : memref<10240x128xf32, #tpu.memory_space<vmem_shared>> -> memref<80x128xf32, #tpu.memory_space<vmem_shared>>
      %dma_start3A_51 = arith.constant 0 : i32
      %dma_start3A_52 = tpu.memref_slice %arg10[%add3A_21, %dma_start3A_51] : memref<10240x128xf32, #tpu.memory_space<vmem_shared>> -> memref<80x128xf32, #tpu.memory_space<vmem_shared>>
      %dma_start3A_53 = arith.constant 0 : i32
      %dma_start3A_54 = arith.constant 0 : i32
      %dma_start3A_55 = tpu.memref_slice %arg8[%dma_start3A_53, %dma_start3A_54] : memref<80x128xf32, #tpu.memory_space<vmem>> -> memref<80x128xf32, #tpu.memory_space<vmem>>
      tpu.enqueue_dma source(%dma_start3A_55 : memref<80x128xf32, #tpu.memory_space<vmem>>) target(%dma_start3A_52 : memref<80x128xf32, #tpu.memory_space<vmem_shared>>) target_semaphore(%run_scoped3A_45 : memref<!tpu.dma_semaphore, #tpu.memory_space<semaphore_mem>>)
      %dma_wait3A_56 = arith.constant 0 : i32
      %dma_wait3A_57 = arith.constant 0 : i32
      %dma_wait3A_58 = tpu.memref_slice %arg8[%dma_wait3A_56, %dma_wait3A_57] : memref<80x128xf32, #tpu.memory_space<vmem>> -> memref<80x128xf32, #tpu.memory_space<vmem>>
      %dma_wait3A_59 = arith.constant 0 : i32
      %dma_wait3A_60 = tpu.memref_slice %arg10[%add3A_21, %dma_wait3A_59] : memref<10240x128xf32, #tpu.memory_space<vmem_shared>> -> memref<80x128xf32, #tpu.memory_space<vmem_shared>>
      %dma_wait3A_61 = arith.constant 0 : i32
      %dma_wait3A_62 = tpu.memref_slice %arg10[%add3A_21, %dma_wait3A_61] : memref<10240x128xf32, #tpu.memory_space<vmem_shared>> -> memref<80x128xf32, #tpu.memory_space<vmem_shared>>
      %dma_wait3A_63 = arith.constant 0 : i32
      %dma_wait3A_64 = arith.constant 0 : i32
      %dma_wait3A_65 = tpu.memref_slice %arg8[%dma_wait3A_63, %dma_wait3A_64] : memref<80x128xf32, #tpu.memory_space<vmem>> -> memref<80x128xf32, #tpu.memory_space<vmem>>
      tpu.wait_dma2 semaphore(%run_scoped3A_45 : memref<!tpu.dma_semaphore, #tpu.memory_space<semaphore_mem>>) src(%dma_wait3A_65 : memref<80x128xf32, #tpu.memory_space<vmem>>) dst(%dma_wait3A_62 : memref<80x128xf32, #tpu.memory_space<vmem_shared>>)
      tpu.yield
    }) : () -> ()
    %add3A_22 = arith.constant 560 : i32
    %add3A_23 = arith.addi %mul3A_2, %add3A_22 : i32
    "tpu.region"() ({
      %run_scoped3A_45 = tpu.sem_alloc : memref<!tpu.dma_semaphore, #tpu.memory_space<semaphore_mem>>
      %dma_start3A_46 = arith.constant 0 : i32
      %dma_start3A_47 = arith.constant 0 : i32
      %dma_start3A_48 = tpu.memref_slice %arg8[%dma_start3A_46, %dma_start3A_47] : memref<80x128xf32, #tpu.memory_space<vmem>> -> memref<80x128xf32, #tpu.memory_space<vmem>>
      %dma_start3A_49 = arith.constant 0 : i32
      %dma_start3A_50 = tpu.memref_slice %arg10[%add3A_23, %dma_start3A_49] : memref<10240x128xf32, #tpu.memory_space<vmem_shared>> -> memref<80x128xf32, #tpu.memory_space<vmem_shared>>
      %dma_start3A_51 = arith.constant 0 : i32
      %dma_start3A_52 = tpu.memref_slice %arg10[%add3A_23, %dma_start3A_51] : memref<10240x128xf32, #tpu.memory_space<vmem_shared>> -> memref<80x128xf32, #tpu.memory_space<vmem_shared>>
      %dma_start3A_53 = arith.constant 0 : i32
      %dma_start3A_54 = arith.constant 0 : i32
      %dma_start3A_55 = tpu.memref_slice %arg8[%dma_start3A_53, %dma_start3A_54] : memref<80x128xf32, #tpu.memory_space<vmem>> -> memref<80x128xf32, #tpu.memory_space<vmem>>
      tpu.enqueue_dma source(%dma_start3A_55 : memref<80x128xf32, #tpu.memory_space<vmem>>) target(%dma_start3A_52 : memref<80x128xf32, #tpu.memory_space<vmem_shared>>) target_semaphore(%run_scoped3A_45 : memref<!tpu.dma_semaphore, #tpu.memory_space<semaphore_mem>>)
      %dma_wait3A_56 = arith.constant 0 : i32
      %dma_wait3A_57 = arith.constant 0 : i32
      %dma_wait3A_58 = tpu.memref_slice %arg8[%dma_wait3A_56, %dma_wait3A_57] : memref<80x128xf32, #tpu.memory_space<vmem>> -> memref<80x128xf32, #tpu.memory_space<vmem>>
      %dma_wait3A_59 = arith.constant 0 : i32
      %dma_wait3A_60 = tpu.memref_slice %arg10[%add3A_23, %dma_wait3A_59] : memref<10240x128xf32, #tpu.memory_space<vmem_shared>> -> memref<80x128xf32, #tpu.memory_space<vmem_shared>>
      %dma_wait3A_61 = arith.constant 0 : i32
      %dma_wait3A_62 = tpu.memref_slice %arg10[%add3A_23, %dma_wait3A_61] : memref<10240x128xf32, #tpu.memory_space<vmem_shared>> -> memref<80x128xf32, #tpu.memory_space<vmem_shared>>
      %dma_wait3A_63 = arith.constant 0 : i32
      %dma_wait3A_64 = arith.constant 0 : i32
      %dma_wait3A_65 = tpu.memref_slice %arg8[%dma_wait3A_63, %dma_wait3A_64] : memref<80x128xf32, #tpu.memory_space<vmem>> -> memref<80x128xf32, #tpu.memory_space<vmem>>
      tpu.wait_dma2 semaphore(%run_scoped3A_45 : memref<!tpu.dma_semaphore, #tpu.memory_space<semaphore_mem>>) src(%dma_wait3A_65 : memref<80x128xf32, #tpu.memory_space<vmem>>) dst(%dma_wait3A_62 : memref<80x128xf32, #tpu.memory_space<vmem_shared>>)
      tpu.yield
    }) : () -> ()
    "tpu.region"() ({
      %run_scoped3A_45 = tpu.sem_alloc : memref<!tpu.dma_semaphore, #tpu.memory_space<semaphore_mem>>
      %dma_start3A_46 = arith.constant 0 : i32
      %dma_start3A_47 = arith.constant 0 : i32
      %dma_start3A_48 = tpu.memref_slice %arg3[%add3A, %dma_start3A_46, %dma_start3A_47] : memref<32x125x80xi32, #tpu.memory_space<hbm>> -> memref<1x125x80xi32, #tpu.memory_space<hbm>>
      %dma_start3A_49 = tpu.memref_squeeze %dma_start3A_48 : memref<1x125x80xi32, #tpu.memory_space<hbm>> -> memref<125x80xi32, #tpu.memory_space<hbm>>
      %dma_start3A_50 = arith.constant 0 : i32
      %dma_start3A_51 = arith.constant 0 : i32
      %dma_start3A_52 = tpu.memref_slice %arg3[%add3A, %dma_start3A_50, %dma_start3A_51] : memref<32x125x80xi32, #tpu.memory_space<hbm>> -> memref<1x125x80xi32, #tpu.memory_space<hbm>>
      %dma_start3A_53 = tpu.memref_squeeze %dma_start3A_52 : memref<1x125x80xi32, #tpu.memory_space<hbm>> -> memref<125x80xi32, #tpu.memory_space<hbm>>
      tpu.enqueue_dma source(%dma_start3A_53 : memref<125x80xi32, #tpu.memory_space<hbm>>) target(%arg6 : memref<125x80xi32, #tpu.memory_space<vmem>>) target_semaphore(%run_scoped3A_45 : memref<!tpu.dma_semaphore, #tpu.memory_space<semaphore_mem>>)
      %dma_wait3A_54 = arith.constant 0 : i32
      %dma_wait3A_55 = arith.constant 0 : i32
      %dma_wait3A_56 = tpu.memref_slice %arg3[%add3A, %dma_wait3A_54, %dma_wait3A_55] : memref<32x125x80xi32, #tpu.memory_space<hbm>> -> memref<1x125x80xi32, #tpu.memory_space<hbm>>
      %dma_wait3A_57 = tpu.memref_squeeze %dma_wait3A_56 : memref<1x125x80xi32, #tpu.memory_space<hbm>> -> memref<125x80xi32, #tpu.memory_space<hbm>>
      %dma_wait3A_58 = arith.constant 0 : i32
      %dma_wait3A_59 = arith.constant 0 : i32
      %dma_wait3A_60 = tpu.memref_slice %arg3[%add3A, %dma_wait3A_58, %dma_wait3A_59] : memref<32x125x80xi32, #tpu.memory_space<hbm>> -> memref<1x125x80xi32, #tpu.memory_space<hbm>>
      %dma_wait3A_61 = tpu.memref_squeeze %dma_wait3A_60 : memref<1x125x80xi32, #tpu.memory_space<hbm>> -> memref<125x80xi32, #tpu.memory_space<hbm>>
      tpu.wait_dma2 semaphore(%run_scoped3A_45 : memref<!tpu.dma_semaphore, #tpu.memory_space<semaphore_mem>>) src(%dma_wait3A_61 : memref<125x80xi32, #tpu.memory_space<hbm>>) dst(%arg6 : memref<125x80xi32, #tpu.memory_space<vmem>>)
      tpu.yield
    }) : () -> ()
    "tpu.region"() ({
      %run_scoped3A_45 = tpu.sem_alloc : memref<!tpu.dma_semaphore, #tpu.memory_space<semaphore_mem>>
      %dma_start3A_46 = arith.constant 0 : i32
      %dma_start3A_47 = arith.constant 0 : i32
      %dma_start3A_48 = tpu.memref_slice %arg4[%add3A, %dma_start3A_46, %dma_start3A_47] : memref<32x125x80xi32, #tpu.memory_space<hbm>> -> memref<1x125x80xi32, #tpu.memory_space<hbm>>
      %dma_start3A_49 = tpu.memref_squeeze %dma_start3A_48 : memref<1x125x80xi32, #tpu.memory_space<hbm>> -> memref<125x80xi32, #tpu.memory_space<hbm>>
      %dma_start3A_50 = arith.constant 0 : i32
      %dma_start3A_51 = arith.constant 0 : i32
      %dma_start3A_52 = tpu.memref_slice %arg4[%add3A, %dma_start3A_50, %dma_start3A_51] : memref<32x125x80xi32, #tpu.memory_space<hbm>> -> memref<1x125x80xi32, #tpu.memory_space<hbm>>
      %dma_start3A_53 = tpu.memref_squeeze %dma_start3A_52 : memref<1x125x80xi32, #tpu.memory_space<hbm>> -> memref<125x80xi32, #tpu.memory_space<hbm>>
      tpu.enqueue_dma source(%dma_start3A_53 : memref<125x80xi32, #tpu.memory_space<hbm>>) target(%arg7 : memref<125x80xi32, #tpu.memory_space<vmem>>) target_semaphore(%run_scoped3A_45 : memref<!tpu.dma_semaphore, #tpu.memory_space<semaphore_mem>>)
      %dma_wait3A_54 = arith.constant 0 : i32
      %dma_wait3A_55 = arith.constant 0 : i32
      %dma_wait3A_56 = tpu.memref_slice %arg4[%add3A, %dma_wait3A_54, %dma_wait3A_55] : memref<32x125x80xi32, #tpu.memory_space<hbm>> -> memref<1x125x80xi32, #tpu.memory_space<hbm>>
      %dma_wait3A_57 = tpu.memref_squeeze %dma_wait3A_56 : memref<1x125x80xi32, #tpu.memory_space<hbm>> -> memref<125x80xi32, #tpu.memory_space<hbm>>
      %dma_wait3A_58 = arith.constant 0 : i32
      %dma_wait3A_59 = arith.constant 0 : i32
      %dma_wait3A_60 = tpu.memref_slice %arg4[%add3A, %dma_wait3A_58, %dma_wait3A_59] : memref<32x125x80xi32, #tpu.memory_space<hbm>> -> memref<1x125x80xi32, #tpu.memory_space<hbm>>
      %dma_wait3A_61 = tpu.memref_squeeze %dma_wait3A_60 : memref<1x125x80xi32, #tpu.memory_space<hbm>> -> memref<125x80xi32, #tpu.memory_space<hbm>>
      tpu.wait_dma2 semaphore(%run_scoped3A_45 : memref<!tpu.dma_semaphore, #tpu.memory_space<semaphore_mem>>) src(%dma_wait3A_61 : memref<125x80xi32, #tpu.memory_space<hbm>>) dst(%arg7 : memref<125x80xi32, #tpu.memory_space<vmem>>)
      tpu.yield
    }) : () -> ()
    %barrier3A = arith.constant 0 : index
    tpu.barrier barrier_id(%barrier3A)
    %dma_start3A = arith.constant 0 : i32
    %dma_start3A_24 = arith.constant 0 : i32
    %dma_start3A_25 = tpu.memref_slice %arg6[%dma_start3A, %dma_start3A_24] : memref<125x80xi32, #tpu.memory_space<vmem>> -> memref<1x80xi32, #tpu.memory_space<vmem>>
    %dma_start3A_26 = tpu.memref_squeeze %dma_start3A_25 : memref<1x80xi32, #tpu.memory_space<vmem>> -> memref<80xi32, #tpu.memory_space<vmem>>
    %dma_start3A_27 = arith.constant 0 : i32
    %dma_start3A_28 = arith.constant 0 : i32
    %dma_start3A_29 = tpu.memref_slice %arg2[%dma_start3A_27, %dma_start3A_28] : memref<10000x128xf32, #tpu.memory_space<hbm>> -> memref<10000x128xf32, #tpu.memory_space<hbm>>
    tpu.enqueue_indirect_dma source(%dma_start3A_29 : memref<10000x128xf32, #tpu.memory_space<hbm>>) target(%arg8 : memref<80x128xf32, #tpu.memory_space<vmem>>) offsets(%dma_start3A_26 : memref<80xi32, #tpu.memory_space<vmem>>) semaphore(%arg11 : memref<!tpu.dma_semaphore, #tpu.memory_space<semaphore_mem>>)
    %scan3A_30 = arith.constant 0 : i32
    %scan3A_31 = arith.constant 0 : i32
    %scan3A_32 = arith.constant 62 : i32
    %scan3A_33 = arith.addi %scan3A_31, %scan3A_32 : i32
    %scan3A_34 = arith.constant 1 : i32
    scf.for %scan3A_45 = %scan3A_31 to %scan3A_33 step %scan3A_34  : i32 {
      %mul3A_46 = arith.constant 2 : i32
      %mul3A_47 = arith.muli %mul3A_46, %scan3A_45 : i32
      %add3A_48 = arith.constant 1 : i32
      %add3A_49 = arith.addi %mul3A_47, %add3A_48 : i32
      %dma_start3A_50 = arith.constant 0 : i32
      %dma_start3A_51 = tpu.memref_slice %arg6[%add3A_49, %dma_start3A_50] : memref<125x80xi32, #tpu.memory_space<vmem>> -> memref<1x80xi32, #tpu.memory_space<vmem>>
      %dma_start3A_52 = tpu.memref_squeeze %dma_start3A_51 : memref<1x80xi32, #tpu.memory_space<vmem>> -> memref<80xi32, #tpu.memory_space<vmem>>
      %dma_start3A_53 = arith.constant 0 : i32
      %dma_start3A_54 = arith.constant 0 : i32
      %dma_start3A_55 = tpu.memref_slice %arg2[%dma_start3A_53, %dma_start3A_54] : memref<10000x128xf32, #tpu.memory_space<hbm>> -> memref<10000x128xf32, #tpu.memory_space<hbm>>
      tpu.enqueue_indirect_dma source(%dma_start3A_55 : memref<10000x128xf32, #tpu.memory_space<hbm>>) target(%arg9 : memref<80x128xf32, #tpu.memory_space<vmem>>) offsets(%dma_start3A_52 : memref<80xi32, #tpu.memory_space<vmem>>) semaphore(%arg12 : memref<!tpu.dma_semaphore, #tpu.memory_space<semaphore_mem>>)
      %dma_wait3A_56 = arith.constant 0 : i32
      %dma_wait3A_57 = arith.constant 0 : i32
      %dma_wait3A_58 = tpu.memref_slice %arg2[%dma_wait3A_56, %dma_wait3A_57] : memref<10000x128xf32, #tpu.memory_space<hbm>> -> memref<80x128xf32, #tpu.memory_space<hbm>>
      %dma_wait3A_59 = arith.constant 0 : i32
      %dma_wait3A_60 = arith.constant 0 : i32
      %dma_wait3A_61 = tpu.memref_slice %arg2[%dma_wait3A_59, %dma_wait3A_60] : memref<10000x128xf32, #tpu.memory_space<hbm>> -> memref<80x128xf32, #tpu.memory_space<hbm>>
      tpu.wait_dma2 semaphore(%arg11 : memref<!tpu.dma_semaphore, #tpu.memory_space<semaphore_mem>>) src(%dma_wait3A_61 : memref<80x128xf32, #tpu.memory_space<hbm>>) dst(%arg8 : memref<80x128xf32, #tpu.memory_space<vmem>>)
      "tpu.region"() ({
        %run_scoped3A_78 = tpu.sem_alloc : memref<!tpu.dma_semaphore, #tpu.memory_space<semaphore_mem>>
        %dma_start3A_79 = arith.constant 0 : i32
        %dma_start3A_80 = tpu.memref_slice %arg7[%mul3A_47, %dma_start3A_79] : memref<125x80xi32, #tpu.memory_space<vmem>> -> memref<1x80xi32, #tpu.memory_space<vmem>>
        %dma_start3A_81 = tpu.memref_squeeze %dma_start3A_80 : memref<1x80xi32, #tpu.memory_space<vmem>> -> memref<80xi32, #tpu.memory_space<vmem>>
        %dma_start3A_82 = arith.constant 0 : i32
        %dma_start3A_83 = arith.constant 0 : i32
        %dma_start3A_84 = tpu.memref_slice %arg10[%dma_start3A_82, %dma_start3A_83] : memref<10240x128xf32, #tpu.memory_space<vmem_shared>> -> memref<10240x128xf32, #tpu.memory_space<vmem_shared>>
        tpu.enqueue_indirect_dma source(%arg8 : memref<80x128xf32, #tpu.memory_space<vmem>>) target(%dma_start3A_84 : memref<10240x128xf32, #tpu.memory_space<vmem_shared>>) offsets(%dma_start3A_81 : memref<80xi32, #tpu.memory_space<vmem>>) semaphore(%run_scoped3A_78 : memref<!tpu.dma_semaphore, #tpu.memory_space<semaphore_mem>>) {add = true}
        %dma_wait3A_85 = arith.constant 0 : i32
        %dma_wait3A_86 = tpu.memref_slice %arg7[%mul3A_47, %dma_wait3A_85] : memref<125x80xi32, #tpu.memory_space<vmem>> -> memref<1x80xi32, #tpu.memory_space<vmem>>
        %dma_wait3A_87 = tpu.memref_squeeze %dma_wait3A_86 : memref<1x80xi32, #tpu.memory_space<vmem>> -> memref<80xi32, #tpu.memory_space<vmem>>
        %dma_wait3A_88 = arith.constant 0 : i32
        %dma_wait3A_89 = arith.constant 0 : i32
        %dma_wait3A_90 = tpu.memref_slice %arg10[%dma_wait3A_88, %dma_wait3A_89] : memref<10240x128xf32, #tpu.memory_space<vmem_shared>> -> memref<10240x128xf32, #tpu.memory_space<vmem_shared>>
        tpu.wait_indirect_dma semaphore(%run_scoped3A_78 : memref<!tpu.dma_semaphore, #tpu.memory_space<semaphore_mem>>) src(%arg8 : memref<80x128xf32, #tpu.memory_space<vmem>>) dst(%dma_wait3A_90 : memref<10240x128xf32, #tpu.memory_space<vmem_shared>>)
        tpu.yield
      }) : () -> ()
      %add3A_62 = arith.constant 2 : i32
      %add3A_63 = arith.addi %mul3A_47, %add3A_62 : i32
      %dma_start3A_64 = arith.constant 0 : i32
      %dma_start3A_65 = tpu.memref_slice %arg6[%add3A_63, %dma_start3A_64] : memref<125x80xi32, #tpu.memory_space<vmem>> -> memref<1x80xi32, #tpu.memory_space<vmem>>
      %dma_start3A_66 = tpu.memref_squeeze %dma_start3A_65 : memref<1x80xi32, #tpu.memory_space<vmem>> -> memref<80xi32, #tpu.memory_space<vmem>>
      %dma_start3A_67 = arith.constant 0 : i32
      %dma_start3A_68 = arith.constant 0 : i32
      %dma_start3A_69 = tpu.memref_slice %arg2[%dma_start3A_67, %dma_start3A_68] : memref<10000x128xf32, #tpu.memory_space<hbm>> -> memref<10000x128xf32, #tpu.memory_space<hbm>>
      tpu.enqueue_indirect_dma source(%dma_start3A_69 : memref<10000x128xf32, #tpu.memory_space<hbm>>) target(%arg8 : memref<80x128xf32, #tpu.memory_space<vmem>>) offsets(%dma_start3A_66 : memref<80xi32, #tpu.memory_space<vmem>>) semaphore(%arg11 : memref<!tpu.dma_semaphore, #tpu.memory_space<semaphore_mem>>)
      %dma_wait3A_70 = arith.constant 0 : i32
      %dma_wait3A_71 = arith.constant 0 : i32
      %dma_wait3A_72 = tpu.memref_slice %arg2[%dma_wait3A_70, %dma_wait3A_71] : memref<10000x128xf32, #tpu.memory_space<hbm>> -> memref<80x128xf32, #tpu.memory_space<hbm>>
      %dma_wait3A_73 = arith.constant 0 : i32
      %dma_wait3A_74 = arith.constant 0 : i32
      %dma_wait3A_75 = tpu.memref_slice %arg2[%dma_wait3A_73, %dma_wait3A_74] : memref<10000x128xf32, #tpu.memory_space<hbm>> -> memref<80x128xf32, #tpu.memory_space<hbm>>
      tpu.wait_dma2 semaphore(%arg12 : memref<!tpu.dma_semaphore, #tpu.memory_space<semaphore_mem>>) src(%dma_wait3A_75 : memref<80x128xf32, #tpu.memory_space<hbm>>) dst(%arg9 : memref<80x128xf32, #tpu.memory_space<vmem>>)
      %add3A_76 = arith.constant 1 : i32
      %add3A_77 = arith.addi %mul3A_47, %add3A_76 : i32
      "tpu.region"() ({
        %run_scoped3A_78 = tpu.sem_alloc : memref<!tpu.dma_semaphore, #tpu.memory_space<semaphore_mem>>
        %dma_start3A_79 = arith.constant 0 : i32
        %dma_start3A_80 = tpu.memref_slice %arg7[%add3A_77, %dma_start3A_79] : memref<125x80xi32, #tpu.memory_space<vmem>> -> memref<1x80xi32, #tpu.memory_space<vmem>>
        %dma_start3A_81 = tpu.memref_squeeze %dma_start3A_80 : memref<1x80xi32, #tpu.memory_space<vmem>> -> memref<80xi32, #tpu.memory_space<vmem>>
        %dma_start3A_82 = arith.constant 0 : i32
        %dma_start3A_83 = arith.constant 0 : i32
        %dma_start3A_84 = tpu.memref_slice %arg10[%dma_start3A_82, %dma_start3A_83] : memref<10240x128xf32, #tpu.memory_space<vmem_shared>> -> memref<10240x128xf32, #tpu.memory_space<vmem_shared>>
        tpu.enqueue_indirect_dma source(%arg9 : memref<80x128xf32, #tpu.memory_space<vmem>>) target(%dma_start3A_84 : memref<10240x128xf32, #tpu.memory_space<vmem_shared>>) offsets(%dma_start3A_81 : memref<80xi32, #tpu.memory_space<vmem>>) semaphore(%run_scoped3A_78 : memref<!tpu.dma_semaphore, #tpu.memory_space<semaphore_mem>>) {add = true}
        %dma_wait3A_85 = arith.constant 0 : i32
        %dma_wait3A_86 = tpu.memref_slice %arg7[%add3A_77, %dma_wait3A_85] : memref<125x80xi32, #tpu.memory_space<vmem>> -> memref<1x80xi32, #tpu.memory_space<vmem>>
        %dma_wait3A_87 = tpu.memref_squeeze %dma_wait3A_86 : memref<1x80xi32, #tpu.memory_space<vmem>> -> memref<80xi32, #tpu.memory_space<vmem>>
        %dma_wait3A_88 = arith.constant 0 : i32
        %dma_wait3A_89 = arith.constant 0 : i32
        %dma_wait3A_90 = tpu.memref_slice %arg10[%dma_wait3A_88, %dma_wait3A_89] : memref<10240x128xf32, #tpu.memory_space<vmem_shared>> -> memref<10240x128xf32, #tpu.memory_space<vmem_shared>>
        tpu.wait_indirect_dma semaphore(%run_scoped3A_78 : memref<!tpu.dma_semaphore, #tpu.memory_space<semaphore_mem>>) src(%arg9 : memref<80x128xf32, #tpu.memory_space<vmem>>) dst(%dma_wait3A_90 : memref<10240x128xf32, #tpu.memory_space<vmem_shared>>)
        tpu.yield
      }) : () -> ()
    }
    %scan3A_35 = arith.constant 62 : i32
    %dma_wait3A = arith.constant 0 : i32
    %dma_wait3A_36 = arith.constant 0 : i32
    %dma_wait3A_37 = tpu.memref_slice %arg2[%dma_wait3A, %dma_wait3A_36] : memref<10000x128xf32, #tpu.memory_space<hbm>> -> memref<80x128xf32, #tpu.memory_space<hbm>>
    %dma_wait3A_38 = arith.constant 0 : i32
    %dma_wait3A_39 = arith.constant 0 : i32
    %dma_wait3A_40 = tpu.memref_slice %arg2[%dma_wait3A_38, %dma_wait3A_39] : memref<10000x128xf32, #tpu.memory_space<hbm>> -> memref<80x128xf32, #tpu.memory_space<hbm>>
    tpu.wait_dma2 semaphore(%arg11 : memref<!tpu.dma_semaphore, #tpu.memory_space<semaphore_mem>>) src(%dma_wait3A_40 : memref<80x128xf32, #tpu.memory_space<hbm>>) dst(%arg8 : memref<80x128xf32, #tpu.memory_space<vmem>>)
    %run_scoped3A = arith.constant 124 : i32
    "tpu.region"() ({
      %run_scoped3A_45 = tpu.sem_alloc : memref<!tpu.dma_semaphore, #tpu.memory_space<semaphore_mem>>
      %dma_start3A_46 = arith.constant 0 : i32
      %dma_start3A_47 = tpu.memref_slice %arg7[%run_scoped3A, %dma_start3A_46] : memref<125x80xi32, #tpu.memory_space<vmem>> -> memref<1x80xi32, #tpu.memory_space<vmem>>
      %dma_start3A_48 = tpu.memref_squeeze %dma_start3A_47 : memref<1x80xi32, #tpu.memory_space<vmem>> -> memref<80xi32, #tpu.memory_space<vmem>>
      %dma_start3A_49 = arith.constant 0 : i32
      %dma_start3A_50 = arith.constant 0 : i32
      %dma_start3A_51 = tpu.memref_slice %arg10[%dma_start3A_49, %dma_start3A_50] : memref<10240x128xf32, #tpu.memory_space<vmem_shared>> -> memref<10240x128xf32, #tpu.memory_space<vmem_shared>>
      tpu.enqueue_indirect_dma source(%arg8 : memref<80x128xf32, #tpu.memory_space<vmem>>) target(%dma_start3A_51 : memref<10240x128xf32, #tpu.memory_space<vmem_shared>>) offsets(%dma_start3A_48 : memref<80xi32, #tpu.memory_space<vmem>>) semaphore(%run_scoped3A_45 : memref<!tpu.dma_semaphore, #tpu.memory_space<semaphore_mem>>) {add = true}
      %dma_wait3A_52 = arith.constant 0 : i32
      %dma_wait3A_53 = tpu.memref_slice %arg7[%run_scoped3A, %dma_wait3A_52] : memref<125x80xi32, #tpu.memory_space<vmem>> -> memref<1x80xi32, #tpu.memory_space<vmem>>
      %dma_wait3A_54 = tpu.memref_squeeze %dma_wait3A_53 : memref<1x80xi32, #tpu.memory_space<vmem>> -> memref<80xi32, #tpu.memory_space<vmem>>
      %dma_wait3A_55 = arith.constant 0 : i32
      %dma_wait3A_56 = arith.constant 0 : i32
      %dma_wait3A_57 = tpu.memref_slice %arg10[%dma_wait3A_55, %dma_wait3A_56] : memref<10240x128xf32, #tpu.memory_space<vmem_shared>> -> memref<10240x128xf32, #tpu.memory_space<vmem_shared>>
      tpu.wait_indirect_dma semaphore(%run_scoped3A_45 : memref<!tpu.dma_semaphore, #tpu.memory_space<semaphore_mem>>) src(%arg8 : memref<80x128xf32, #tpu.memory_space<vmem>>) dst(%dma_wait3A_57 : memref<10240x128xf32, #tpu.memory_space<vmem_shared>>)
      tpu.yield
    }) : () -> ()
    %barrier3A_41 = arith.constant 0 : index
    tpu.barrier barrier_id(%barrier3A_41)
    %mul3A_42 = arith.constant 10240 : i32
    %mul3A_43 = arith.muli %arg0, %mul3A_42 : i32
    %add3A_44 = arith.addi %mul3A_43, %mul3A_2 : i32
    "tpu.region"() ({
      %run_scoped3A_45 = tpu.sem_alloc : memref<!tpu.dma_semaphore, #tpu.memory_space<semaphore_mem>>
      %dma_start3A_46 = arith.constant 0 : i32
      %dma_start3A_47 = tpu.memref_slice %arg5[%add3A_44, %dma_start3A_46] : memref<20480x128xf32, #tpu.memory_space<hbm>> -> memref<640x128xf32, #tpu.memory_space<hbm>>
      %dma_start3A_48 = arith.constant 0 : i32
      %dma_start3A_49 = tpu.memref_slice %arg10[%mul3A_2, %dma_start3A_48] : memref<10240x128xf32, #tpu.memory_space<vmem_shared>> -> memref<640x128xf32, #tpu.memory_space<vmem_shared>>
      tpu.enqueue_dma source(%dma_start3A_49 : memref<640x128xf32, #tpu.memory_space<vmem_shared>>) target(%dma_start3A_47 : memref<640x128xf32, #tpu.memory_space<hbm>>) target_semaphore(%run_scoped3A_45 : memref<!tpu.dma_semaphore, #tpu.memory_space<semaphore_mem>>)
      %dma_wait3A_50 = arith.constant 0 : i32
      %dma_wait3A_51 = tpu.memref_slice %arg5[%add3A_44, %dma_wait3A_50] : memref<20480x128xf32, #tpu.memory_space<hbm>> -> memref<640x128xf32, #tpu.memory_space<hbm>>
      %dma_wait3A_52 = arith.constant 0 : i32
      %dma_wait3A_53 = tpu.memref_slice %arg10[%mul3A_2, %dma_wait3A_52] : memref<10240x128xf32, #tpu.memory_space<vmem_shared>> -> memref<640x128xf32, #tpu.memory_space<vmem_shared>>
      tpu.wait_dma2 semaphore(%run_scoped3A_45 : memref<!tpu.dma_semaphore, #tpu.memory_space<semaphore_mem>>) src(%dma_wait3A_53 : memref<640x128xf32, #tpu.memory_space<vmem_shared>>) dst(%dma_wait3A_51 : memref<640x128xf32, #tpu.memory_space<hbm>>)
      tpu.yield
    }) : () -> ()
    return
  }
}

#map = affine_map<(d0, d1) -> (0, 0)>
#map1 = affine_map<(d0, d1) -> (0)>
module attributes {stable_mosaic.version = 14 : i64} {
  func.func @_deg_body(%arg0: i32, %arg1: i32, %arg2: memref<32x10000xi32, #tpu.memory_space<hbm>>, %arg3: memref<32x10000xi32, #tpu.memory_space<hbm>>, %arg4: memref<40960xf32, #tpu.memory_space<hbm>>, %arg5: memref<10000xi32, #tpu.memory_space<vmem>>, %arg6: memref<10000xf32, #tpu.memory_space<vmem>>, %arg7: memref<640xf32, #tpu.memory_space<vmem>>, %arg8: memref<10240xf32, #tpu.memory_space<vmem_shared>>, %arg9: memref<10240xf32, #tpu.memory_space<vmem_shared>>) attributes {dimension_semantics = [#tpu.dimension_semantics<core_parallel>, #tpu.dimension_semantics<subcore_parallel>], iteration_bounds = array<i64: 2, 16>, scalar_prefetch = 0 : i64, scratch_operands = 5 : i64, tpu.core_type = #tpu.core_type<sc_vector_subcore>, window_params = [{transform_indices = #map}, {transform_indices = #map}, {transform_indices = #map1}]} {
    %mul3A = arith.constant 16 : i32
    %mul3A_0 = arith.muli %arg0, %mul3A : i32
    %add3A = arith.addi %mul3A_0, %arg1 : i32
    %mul3A_1 = arith.constant 640 : i32
    %mul3A_2 = arith.muli %arg1, %mul3A_1 : i32
    %scan3A = arith.constant 0 : i32
    %scan3A_3 = arith.constant 0 : i32
    %scan3A_4 = arith.constant 625 : i32
    %scan3A_5 = arith.addi %scan3A_3, %scan3A_4 : i32
    %scan3A_6 = arith.constant 1 : i32
    scf.for %scan3A_23 = %scan3A_3 to %scan3A_5 step %scan3A_6  : i32 {
      %broadcast_in_dim3A = arith.constant 1.000000e+00 : f32
      %broadcast_in_dim3A_24 = vector.broadcast %broadcast_in_dim3A : f32 to vector<16xf32>
      %mul3A_25 = arith.constant 16 : i32
      %mul3A_26 = arith.muli %scan3A_23, %mul3A_25 : i32
      %swap3A = arith.index_cast %mul3A_26 : i32 to index
      %swap3A_27 = tpu.vector_load %arg6[%swap3A] {strides = array<i32>} : memref<10000xf32, #tpu.memory_space<vmem>>, vector<16xf32>,
      %swap3A_28 = vector.shape_cast %swap3A_27 : vector<16xf32> to vector<16xf32>
      %swap3A_29 = vector.shape_cast %broadcast_in_dim3A_24 : vector<16xf32> to vector<16xf32>
      tpu.vector_store %arg6[%swap3A], %swap3A_29 {strides = array<i32>} : memref<10000xf32, #tpu.memory_space<vmem>>, vector<16xf32>,
    }
    %scan3A_7 = arith.constant 625 : i32
    %scan3A_8 = arith.constant 0 : i32
    %scan3A_9 = arith.constant 0 : i32
    %scan3A_10 = arith.constant 40 : i32
    %scan3A_11 = arith.addi %scan3A_9, %scan3A_10 : i32
    %scan3A_12 = arith.constant 1 : i32
    scf.for %scan3A_23 = %scan3A_9 to %scan3A_11 step %scan3A_12  : i32 {
      %broadcast_in_dim3A = arith.constant 0.000000e+00 : f32
      %broadcast_in_dim3A_24 = vector.broadcast %broadcast_in_dim3A : f32 to vector<16xf32>
      %mul3A_25 = arith.constant 16 : i32
      %mul3A_26 = arith.muli %scan3A_23, %mul3A_25 : i32
      %swap3A = arith.index_cast %mul3A_26 : i32 to index
      %swap3A_27 = tpu.vector_load %arg7[%swap3A] {strides = array<i32>} : memref<640xf32, #tpu.memory_space<vmem>>, vector<16xf32>,
      %swap3A_28 = vector.shape_cast %swap3A_27 : vector<16xf32> to vector<16xf32>
      %swap3A_29 = vector.shape_cast %broadcast_in_dim3A_24 : vector<16xf32> to vector<16xf32>
      tpu.vector_store %arg7[%swap3A], %swap3A_29 {strides = array<i32>} : memref<640xf32, #tpu.memory_space<vmem>>, vector<16xf32>,
    }
    %scan3A_13 = arith.constant 40 : i32
    "tpu.region"() ({
      %run_scoped3A = tpu.sem_alloc : memref<!tpu.dma_semaphore, #tpu.memory_space<semaphore_mem>>
      %dma_start3A = tpu.memref_slice %arg8[%mul3A_2] : memref<10240xf32, #tpu.memory_space<vmem_shared>> -> memref<640xf32, #tpu.memory_space<vmem_shared>>
      %dma_start3A_23 = tpu.memref_slice %arg8[%mul3A_2] : memref<10240xf32, #tpu.memory_space<vmem_shared>> -> memref<640xf32, #tpu.memory_space<vmem_shared>>
      tpu.enqueue_dma source(%arg7 : memref<640xf32, #tpu.memory_space<vmem>>) target(%dma_start3A_23 : memref<640xf32, #tpu.memory_space<vmem_shared>>) target_semaphore(%run_scoped3A : memref<!tpu.dma_semaphore, #tpu.memory_space<semaphore_mem>>)
      %dma_wait3A = tpu.memref_slice %arg8[%mul3A_2] : memref<10240xf32, #tpu.memory_space<vmem_shared>> -> memref<640xf32, #tpu.memory_space<vmem_shared>>
      %dma_wait3A_24 = tpu.memref_slice %arg8[%mul3A_2] : memref<10240xf32, #tpu.memory_space<vmem_shared>> -> memref<640xf32, #tpu.memory_space<vmem_shared>>
      tpu.wait_dma2 semaphore(%run_scoped3A : memref<!tpu.dma_semaphore, #tpu.memory_space<semaphore_mem>>) src(%arg7 : memref<640xf32, #tpu.memory_space<vmem>>) dst(%dma_wait3A_24 : memref<640xf32, #tpu.memory_space<vmem_shared>>)
      tpu.yield
    }) : () -> ()
    "tpu.region"() ({
      %run_scoped3A = tpu.sem_alloc : memref<!tpu.dma_semaphore, #tpu.memory_space<semaphore_mem>>
      %dma_start3A = tpu.memref_slice %arg9[%mul3A_2] : memref<10240xf32, #tpu.memory_space<vmem_shared>> -> memref<640xf32, #tpu.memory_space<vmem_shared>>
      %dma_start3A_23 = tpu.memref_slice %arg9[%mul3A_2] : memref<10240xf32, #tpu.memory_space<vmem_shared>> -> memref<640xf32, #tpu.memory_space<vmem_shared>>
      tpu.enqueue_dma source(%arg7 : memref<640xf32, #tpu.memory_space<vmem>>) target(%dma_start3A_23 : memref<640xf32, #tpu.memory_space<vmem_shared>>) target_semaphore(%run_scoped3A : memref<!tpu.dma_semaphore, #tpu.memory_space<semaphore_mem>>)
      %dma_wait3A = tpu.memref_slice %arg9[%mul3A_2] : memref<10240xf32, #tpu.memory_space<vmem_shared>> -> memref<640xf32, #tpu.memory_space<vmem_shared>>
      %dma_wait3A_24 = tpu.memref_slice %arg9[%mul3A_2] : memref<10240xf32, #tpu.memory_space<vmem_shared>> -> memref<640xf32, #tpu.memory_space<vmem_shared>>
      tpu.wait_dma2 semaphore(%run_scoped3A : memref<!tpu.dma_semaphore, #tpu.memory_space<semaphore_mem>>) src(%arg7 : memref<640xf32, #tpu.memory_space<vmem>>) dst(%dma_wait3A_24 : memref<640xf32, #tpu.memory_space<vmem_shared>>)
      tpu.yield
    }) : () -> ()
    %barrier3A = arith.constant 0 : index
    tpu.barrier barrier_id(%barrier3A)
    "tpu.region"() ({
      %run_scoped3A = tpu.sem_alloc : memref<!tpu.dma_semaphore, #tpu.memory_space<semaphore_mem>>
      %dma_start3A = arith.constant 0 : i32
      %dma_start3A_23 = tpu.memref_slice %arg2[%add3A, %dma_start3A] : memref<32x10000xi32, #tpu.memory_space<hbm>> -> memref<1x10000xi32, #tpu.memory_space<hbm>>
      %dma_start3A_24 = tpu.memref_squeeze %dma_start3A_23 : memref<1x10000xi32, #tpu.memory_space<hbm>> -> memref<10000xi32, #tpu.memory_space<hbm>>
      %dma_start3A_25 = arith.constant 0 : i32
      %dma_start3A_26 = tpu.memref_slice %arg2[%add3A, %dma_start3A_25] : memref<32x10000xi32, #tpu.memory_space<hbm>> -> memref<1x10000xi32, #tpu.memory_space<hbm>>
      %dma_start3A_27 = tpu.memref_squeeze %dma_start3A_26 : memref<1x10000xi32, #tpu.memory_space<hbm>> -> memref<10000xi32, #tpu.memory_space<hbm>>
      tpu.enqueue_dma source(%dma_start3A_27 : memref<10000xi32, #tpu.memory_space<hbm>>) target(%arg5 : memref<10000xi32, #tpu.memory_space<vmem>>) target_semaphore(%run_scoped3A : memref<!tpu.dma_semaphore, #tpu.memory_space<semaphore_mem>>)
      %dma_wait3A = arith.constant 0 : i32
      %dma_wait3A_28 = tpu.memref_slice %arg2[%add3A, %dma_wait3A] : memref<32x10000xi32, #tpu.memory_space<hbm>> -> memref<1x10000xi32, #tpu.memory_space<hbm>>
      %dma_wait3A_29 = tpu.memref_squeeze %dma_wait3A_28 : memref<1x10000xi32, #tpu.memory_space<hbm>> -> memref<10000xi32, #tpu.memory_space<hbm>>
      %dma_wait3A_30 = arith.constant 0 : i32
      %dma_wait3A_31 = tpu.memref_slice %arg2[%add3A, %dma_wait3A_30] : memref<32x10000xi32, #tpu.memory_space<hbm>> -> memref<1x10000xi32, #tpu.memory_space<hbm>>
      %dma_wait3A_32 = tpu.memref_squeeze %dma_wait3A_31 : memref<1x10000xi32, #tpu.memory_space<hbm>> -> memref<10000xi32, #tpu.memory_space<hbm>>
      tpu.wait_dma2 semaphore(%run_scoped3A : memref<!tpu.dma_semaphore, #tpu.memory_space<semaphore_mem>>) src(%dma_wait3A_32 : memref<10000xi32, #tpu.memory_space<hbm>>) dst(%arg5 : memref<10000xi32, #tpu.memory_space<vmem>>)
      tpu.yield
    }) : () -> ()
    "tpu.region"() ({
      %run_scoped3A = tpu.sem_alloc : memref<!tpu.dma_semaphore, #tpu.memory_space<semaphore_mem>>
      %dma_start3A = arith.constant 0 : i32
      %dma_start3A_23 = tpu.memref_slice %arg8[%dma_start3A] : memref<10240xf32, #tpu.memory_space<vmem_shared>> -> memref<10240xf32, #tpu.memory_space<vmem_shared>>
      tpu.enqueue_indirect_dma source(%arg6 : memref<10000xf32, #tpu.memory_space<vmem>>) target(%dma_start3A_23 : memref<10240xf32, #tpu.memory_space<vmem_shared>>) offsets(%arg5 : memref<10000xi32, #tpu.memory_space<vmem>>) semaphore(%run_scoped3A : memref<!tpu.dma_semaphore, #tpu.memory_space<semaphore_mem>>) {add = true}
      %dma_wait3A = arith.constant 0 : i32
      %dma_wait3A_24 = tpu.memref_slice %arg8[%dma_wait3A] : memref<10240xf32, #tpu.memory_space<vmem_shared>> -> memref<10240xf32, #tpu.memory_space<vmem_shared>>
      tpu.wait_indirect_dma semaphore(%run_scoped3A : memref<!tpu.dma_semaphore, #tpu.memory_space<semaphore_mem>>) src(%arg6 : memref<10000xf32, #tpu.memory_space<vmem>>) dst(%dma_wait3A_24 : memref<10240xf32, #tpu.memory_space<vmem_shared>>)
      tpu.yield
    }) : () -> ()
    "tpu.region"() ({
      %run_scoped3A = tpu.sem_alloc : memref<!tpu.dma_semaphore, #tpu.memory_space<semaphore_mem>>
      %dma_start3A = arith.constant 0 : i32
      %dma_start3A_23 = tpu.memref_slice %arg3[%add3A, %dma_start3A] : memref<32x10000xi32, #tpu.memory_space<hbm>> -> memref<1x10000xi32, #tpu.memory_space<hbm>>
      %dma_start3A_24 = tpu.memref_squeeze %dma_start3A_23 : memref<1x10000xi32, #tpu.memory_space<hbm>> -> memref<10000xi32, #tpu.memory_space<hbm>>
      %dma_start3A_25 = arith.constant 0 : i32
      %dma_start3A_26 = tpu.memref_slice %arg3[%add3A, %dma_start3A_25] : memref<32x10000xi32, #tpu.memory_space<hbm>> -> memref<1x10000xi32, #tpu.memory_space<hbm>>
      %dma_start3A_27 = tpu.memref_squeeze %dma_start3A_26 : memref<1x10000xi32, #tpu.memory_space<hbm>> -> memref<10000xi32, #tpu.memory_space<hbm>>
      tpu.enqueue_dma source(%dma_start3A_27 : memref<10000xi32, #tpu.memory_space<hbm>>) target(%arg5 : memref<10000xi32, #tpu.memory_space<vmem>>) target_semaphore(%run_scoped3A : memref<!tpu.dma_semaphore, #tpu.memory_space<semaphore_mem>>)
      %dma_wait3A = arith.constant 0 : i32
      %dma_wait3A_28 = tpu.memref_slice %arg3[%add3A, %dma_wait3A] : memref<32x10000xi32, #tpu.memory_space<hbm>> -> memref<1x10000xi32, #tpu.memory_space<hbm>>
      %dma_wait3A_29 = tpu.memref_squeeze %dma_wait3A_28 : memref<1x10000xi32, #tpu.memory_space<hbm>> -> memref<10000xi32, #tpu.memory_space<hbm>>
      %dma_wait3A_30 = arith.constant 0 : i32
      %dma_wait3A_31 = tpu.memref_slice %arg3[%add3A, %dma_wait3A_30] : memref<32x10000xi32, #tpu.memory_space<hbm>> -> memref<1x10000xi32, #tpu.memory_space<hbm>>
      %dma_wait3A_32 = tpu.memref_squeeze %dma_wait3A_31 : memref<1x10000xi32, #tpu.memory_space<hbm>> -> memref<10000xi32, #tpu.memory_space<hbm>>
      tpu.wait_dma2 semaphore(%run_scoped3A : memref<!tpu.dma_semaphore, #tpu.memory_space<semaphore_mem>>) src(%dma_wait3A_32 : memref<10000xi32, #tpu.memory_space<hbm>>) dst(%arg5 : memref<10000xi32, #tpu.memory_space<vmem>>)
      tpu.yield
    }) : () -> ()
    "tpu.region"() ({
      %run_scoped3A = tpu.sem_alloc : memref<!tpu.dma_semaphore, #tpu.memory_space<semaphore_mem>>
      %dma_start3A = arith.constant 0 : i32
      %dma_start3A_23 = tpu.memref_slice %arg9[%dma_start3A] : memref<10240xf32, #tpu.memory_space<vmem_shared>> -> memref<10240xf32, #tpu.memory_space<vmem_shared>>
      tpu.enqueue_indirect_dma source(%arg6 : memref<10000xf32, #tpu.memory_space<vmem>>) target(%dma_start3A_23 : memref<10240xf32, #tpu.memory_space<vmem_shared>>) offsets(%arg5 : memref<10000xi32, #tpu.memory_space<vmem>>) semaphore(%run_scoped3A : memref<!tpu.dma_semaphore, #tpu.memory_space<semaphore_mem>>) {add = true}
      %dma_wait3A = arith.constant 0 : i32
      %dma_wait3A_24 = tpu.memref_slice %arg9[%dma_wait3A] : memref<10240xf32, #tpu.memory_space<vmem_shared>> -> memref<10240xf32, #tpu.memory_space<vmem_shared>>
      tpu.wait_indirect_dma semaphore(%run_scoped3A : memref<!tpu.dma_semaphore, #tpu.memory_space<semaphore_mem>>) src(%arg6 : memref<10000xf32, #tpu.memory_space<vmem>>) dst(%dma_wait3A_24 : memref<10240xf32, #tpu.memory_space<vmem_shared>>)
      tpu.yield
    }) : () -> ()
    %barrier3A_14 = arith.constant 0 : index
    tpu.barrier barrier_id(%barrier3A_14)
    %mul3A_15 = arith.constant 10240 : i32
    %mul3A_16 = arith.muli %arg0, %mul3A_15 : i32
    %add3A_17 = arith.addi %mul3A_16, %mul3A_2 : i32
    "tpu.region"() ({
      %run_scoped3A = tpu.sem_alloc : memref<!tpu.dma_semaphore, #tpu.memory_space<semaphore_mem>>
      %dma_start3A = tpu.memref_slice %arg4[%add3A_17] : memref<40960xf32, #tpu.memory_space<hbm>> -> memref<640xf32, #tpu.memory_space<hbm>>
      %dma_start3A_23 = tpu.memref_slice %arg8[%mul3A_2] : memref<10240xf32, #tpu.memory_space<vmem_shared>> -> memref<640xf32, #tpu.memory_space<vmem_shared>>
      tpu.enqueue_dma source(%dma_start3A_23 : memref<640xf32, #tpu.memory_space<vmem_shared>>) target(%dma_start3A : memref<640xf32, #tpu.memory_space<hbm>>) target_semaphore(%run_scoped3A : memref<!tpu.dma_semaphore, #tpu.memory_space<semaphore_mem>>)
      %dma_wait3A = tpu.memref_slice %arg4[%add3A_17] : memref<40960xf32, #tpu.memory_space<hbm>> -> memref<640xf32, #tpu.memory_space<hbm>>
      %dma_wait3A_24 = tpu.memref_slice %arg8[%mul3A_2] : memref<10240xf32, #tpu.memory_space<vmem_shared>> -> memref<640xf32, #tpu.memory_space<vmem_shared>>
      tpu.wait_dma2 semaphore(%run_scoped3A : memref<!tpu.dma_semaphore, #tpu.memory_space<semaphore_mem>>) src(%dma_wait3A_24 : memref<640xf32, #tpu.memory_space<vmem_shared>>) dst(%dma_wait3A : memref<640xf32, #tpu.memory_space<hbm>>)
      tpu.yield
    }) : () -> ()
    %add3A_18 = arith.constant 2 : i32
    %add3A_19 = arith.addi %add3A_18, %arg0 : i32
    %mul3A_20 = arith.constant 10240 : i32
    %mul3A_21 = arith.muli %add3A_19, %mul3A_20 : i32
    %add3A_22 = arith.addi %mul3A_21, %mul3A_2 : i32
    "tpu.region"() ({
      %run_scoped3A = tpu.sem_alloc : memref<!tpu.dma_semaphore, #tpu.memory_space<semaphore_mem>>
      %dma_start3A = tpu.memref_slice %arg4[%add3A_22] : memref<40960xf32, #tpu.memory_space<hbm>> -> memref<640xf32, #tpu.memory_space<hbm>>
      %dma_start3A_23 = tpu.memref_slice %arg9[%mul3A_2] : memref<10240xf32, #tpu.memory_space<vmem_shared>> -> memref<640xf32, #tpu.memory_space<vmem_shared>>
      tpu.enqueue_dma source(%dma_start3A_23 : memref<640xf32, #tpu.memory_space<vmem_shared>>) target(%dma_start3A : memref<640xf32, #tpu.memory_space<hbm>>) target_semaphore(%run_scoped3A : memref<!tpu.dma_semaphore, #tpu.memory_space<semaphore_mem>>)
      %dma_wait3A = tpu.memref_slice %arg4[%add3A_22] : memref<40960xf32, #tpu.memory_space<hbm>> -> memref<640xf32, #tpu.memory_space<hbm>>
      %dma_wait3A_24 = tpu.memref_slice %arg9[%mul3A_2] : memref<10240xf32, #tpu.memory_space<vmem_shared>> -> memref<640xf32, #tpu.memory_space<vmem_shared>>
      tpu.wait_dma2 semaphore(%run_scoped3A : memref<!tpu.dma_semaphore, #tpu.memory_space<semaphore_mem>>) src(%dma_wait3A_24 : memref<640xf32, #tpu.memory_space<vmem_shared>>) dst(%dma_wait3A : memref<640xf32, #tpu.memory_space<hbm>>)
      tpu.yield
    }) : () -> ()
    return
  }
}

#map = affine_map<(d0, d1) -> (0, 0)>
#map1 = affine_map<(d0, d1) -> (0, 0, 0)>
module attributes {stable_mosaic.version = 14 : i64} {
  func.func @_seg_body(%arg0: i32, %arg1: i32, %arg2: memref<10000x48xf32, #tpu.memory_space<hbm>>, %arg3: memref<32x25x400xi32, #tpu.memory_space<hbm>>, %arg4: memref<32x25x400xi32, #tpu.memory_space<hbm>>, %arg5: memref<20480x48xf32, #tpu.memory_space<hbm>>, %arg6: memref<25x400xi32, #tpu.memory_space<vmem>>, %arg7: memref<25x400xi32, #tpu.memory_space<vmem>>, %arg8: memref<400x48xf32, #tpu.memory_space<vmem>>, %arg9: memref<400x48xf32, #tpu.memory_space<vmem>>, %arg10: memref<10240x48xf32, #tpu.memory_space<vmem_shared>>, %arg11: memref<!tpu.dma_semaphore, #tpu.memory_space<semaphore_mem>>, %arg12: memref<!tpu.dma_semaphore, #tpu.memory_space<semaphore_mem>>) attributes {dimension_semantics = [#tpu.dimension_semantics<core_parallel>, #tpu.dimension_semantics<subcore_parallel>], iteration_bounds = array<i64: 2, 16>, scalar_prefetch = 0 : i64, scratch_operands = 7 : i64, tpu.core_type = #tpu.core_type<sc_vector_subcore>, window_params = [{transform_indices = #map}, {transform_indices = #map1}, {transform_indices = #map1}, {transform_indices = #map}]} {
    %mul3A = arith.constant 16 : i32
    %mul3A_0 = arith.muli %arg0, %mul3A : i32
    %add3A = arith.addi %mul3A_0, %arg1 : i32
    %mul3A_1 = arith.constant 640 : i32
    %mul3A_2 = arith.muli %arg1, %mul3A_1 : i32
    %scan3A = arith.constant 0 : i32
    %scan3A_3 = arith.constant 0 : i32
    %scan3A_4 = arith.constant 400 : i32
    %scan3A_5 = arith.addi %scan3A_3, %scan3A_4 : i32
    %scan3A_6 = arith.constant 1 : i32
    scf.for %scan3A_33 = %scan3A_3 to %scan3A_5 step %scan3A_6  : i32 {
      %broadcast_in_dim3A = arith.constant 0.000000e+00 : f32
      %broadcast_in_dim3A_34 = vector.broadcast %broadcast_in_dim3A : f32 to vector<16xf32>
      %swap3A = arith.index_cast %scan3A_33 : i32 to index
      %swap3A_35 = arith.constant 0 : index
      %swap3A_36 = tpu.vector_load %arg8[%swap3A, %swap3A_35] {strides = array<i32>} : memref<400x48xf32, #tpu.memory_space<vmem>>, vector<1x16xf32>,
      %swap3A_37 = vector.shape_cast %swap3A_36 : vector<1x16xf32> to vector<16xf32>
      %swap3A_38 = vector.shape_cast %broadcast_in_dim3A_34 : vector<16xf32> to vector<1x16xf32>
      tpu.vector_store %arg8[%swap3A, %swap3A_35], %swap3A_38 {strides = array<i32>} : memref<400x48xf32, #tpu.memory_space<vmem>>, vector<1x16xf32>,
      %broadcast_in_dim3A_39 = arith.constant 0.000000e+00 : f32
      %broadcast_in_dim3A_40 = vector.broadcast %broadcast_in_dim3A_39 : f32 to vector<16xf32>
      %swap3A_41 = arith.index_cast %scan3A_33 : i32 to index
      %swap3A_42 = arith.constant 16 : index
      %swap3A_43 = tpu.vector_load %arg8[%swap3A_41, %swap3A_42] {strides = array<i32>} : memref<400x48xf32, #tpu.memory_space<vmem>>, vector<1x16xf32>,
      %swap3A_44 = vector.shape_cast %swap3A_43 : vector<1x16xf32> to vector<16xf32>
      %swap3A_45 = vector.shape_cast %broadcast_in_dim3A_40 : vector<16xf32> to vector<1x16xf32>
      tpu.vector_store %arg8[%swap3A_41, %swap3A_42], %swap3A_45 {strides = array<i32>} : memref<400x48xf32, #tpu.memory_space<vmem>>, vector<1x16xf32>,
      %broadcast_in_dim3A_46 = arith.constant 0.000000e+00 : f32
      %broadcast_in_dim3A_47 = vector.broadcast %broadcast_in_dim3A_46 : f32 to vector<16xf32>
      %swap3A_48 = arith.index_cast %scan3A_33 : i32 to index
      %swap3A_49 = arith.constant 32 : index
      %swap3A_50 = tpu.vector_load %arg8[%swap3A_48, %swap3A_49] {strides = array<i32>} : memref<400x48xf32, #tpu.memory_space<vmem>>, vector<1x16xf32>,
      %swap3A_51 = vector.shape_cast %swap3A_50 : vector<1x16xf32> to vector<16xf32>
      %swap3A_52 = vector.shape_cast %broadcast_in_dim3A_47 : vector<16xf32> to vector<1x16xf32>
      tpu.vector_store %arg8[%swap3A_48, %swap3A_49], %swap3A_52 {strides = array<i32>} : memref<400x48xf32, #tpu.memory_space<vmem>>, vector<1x16xf32>,
    }
    %scan3A_7 = arith.constant 400 : i32
    %add3A_8 = arith.constant 0 : i32
    %add3A_9 = arith.addi %mul3A_2, %add3A_8 : i32
    "tpu.region"() ({
      %run_scoped3A_33 = tpu.sem_alloc : memref<!tpu.dma_semaphore, #tpu.memory_space<semaphore_mem>>
      %dma_start3A_34 = arith.constant 0 : i32
      %dma_start3A_35 = arith.constant 0 : i32
      %dma_start3A_36 = tpu.memref_slice %arg8[%dma_start3A_34, %dma_start3A_35] : memref<400x48xf32, #tpu.memory_space<vmem>> -> memref<400x48xf32, #tpu.memory_space<vmem>>
      %dma_start3A_37 = arith.constant 0 : i32
      %dma_start3A_38 = tpu.memref_slice %arg10[%add3A_9, %dma_start3A_37] : memref<10240x48xf32, #tpu.memory_space<vmem_shared>> -> memref<400x48xf32, #tpu.memory_space<vmem_shared>>
      %dma_start3A_39 = arith.constant 0 : i32
      %dma_start3A_40 = tpu.memref_slice %arg10[%add3A_9, %dma_start3A_39] : memref<10240x48xf32, #tpu.memory_space<vmem_shared>> -> memref<400x48xf32, #tpu.memory_space<vmem_shared>>
      %dma_start3A_41 = arith.constant 0 : i32
      %dma_start3A_42 = arith.constant 0 : i32
      %dma_start3A_43 = tpu.memref_slice %arg8[%dma_start3A_41, %dma_start3A_42] : memref<400x48xf32, #tpu.memory_space<vmem>> -> memref<400x48xf32, #tpu.memory_space<vmem>>
      tpu.enqueue_dma source(%dma_start3A_43 : memref<400x48xf32, #tpu.memory_space<vmem>>) target(%dma_start3A_40 : memref<400x48xf32, #tpu.memory_space<vmem_shared>>) target_semaphore(%run_scoped3A_33 : memref<!tpu.dma_semaphore, #tpu.memory_space<semaphore_mem>>)
      %dma_wait3A_44 = arith.constant 0 : i32
      %dma_wait3A_45 = arith.constant 0 : i32
      %dma_wait3A_46 = tpu.memref_slice %arg8[%dma_wait3A_44, %dma_wait3A_45] : memref<400x48xf32, #tpu.memory_space<vmem>> -> memref<400x48xf32, #tpu.memory_space<vmem>>
      %dma_wait3A_47 = arith.constant 0 : i32
      %dma_wait3A_48 = tpu.memref_slice %arg10[%add3A_9, %dma_wait3A_47] : memref<10240x48xf32, #tpu.memory_space<vmem_shared>> -> memref<400x48xf32, #tpu.memory_space<vmem_shared>>
      %dma_wait3A_49 = arith.constant 0 : i32
      %dma_wait3A_50 = tpu.memref_slice %arg10[%add3A_9, %dma_wait3A_49] : memref<10240x48xf32, #tpu.memory_space<vmem_shared>> -> memref<400x48xf32, #tpu.memory_space<vmem_shared>>
      %dma_wait3A_51 = arith.constant 0 : i32
      %dma_wait3A_52 = arith.constant 0 : i32
      %dma_wait3A_53 = tpu.memref_slice %arg8[%dma_wait3A_51, %dma_wait3A_52] : memref<400x48xf32, #tpu.memory_space<vmem>> -> memref<400x48xf32, #tpu.memory_space<vmem>>
      tpu.wait_dma2 semaphore(%run_scoped3A_33 : memref<!tpu.dma_semaphore, #tpu.memory_space<semaphore_mem>>) src(%dma_wait3A_53 : memref<400x48xf32, #tpu.memory_space<vmem>>) dst(%dma_wait3A_50 : memref<400x48xf32, #tpu.memory_space<vmem_shared>>)
      tpu.yield
    }) : () -> ()
    %add3A_10 = arith.constant 400 : i32
    %add3A_11 = arith.addi %mul3A_2, %add3A_10 : i32
    "tpu.region"() ({
      %run_scoped3A_33 = tpu.sem_alloc : memref<!tpu.dma_semaphore, #tpu.memory_space<semaphore_mem>>
      %dma_start3A_34 = arith.constant 0 : i32
      %dma_start3A_35 = arith.constant 0 : i32
      %dma_start3A_36 = tpu.memref_slice %arg8[%dma_start3A_34, %dma_start3A_35] : memref<400x48xf32, #tpu.memory_space<vmem>> -> memref<240x48xf32, #tpu.memory_space<vmem>>
      %dma_start3A_37 = arith.constant 0 : i32
      %dma_start3A_38 = tpu.memref_slice %arg10[%add3A_11, %dma_start3A_37] : memref<10240x48xf32, #tpu.memory_space<vmem_shared>> -> memref<240x48xf32, #tpu.memory_space<vmem_shared>>
      %dma_start3A_39 = arith.constant 0 : i32
      %dma_start3A_40 = tpu.memref_slice %arg10[%add3A_11, %dma_start3A_39] : memref<10240x48xf32, #tpu.memory_space<vmem_shared>> -> memref<240x48xf32, #tpu.memory_space<vmem_shared>>
      %dma_start3A_41 = arith.constant 0 : i32
      %dma_start3A_42 = arith.constant 0 : i32
      %dma_start3A_43 = tpu.memref_slice %arg8[%dma_start3A_41, %dma_start3A_42] : memref<400x48xf32, #tpu.memory_space<vmem>> -> memref<240x48xf32, #tpu.memory_space<vmem>>
      tpu.enqueue_dma source(%dma_start3A_43 : memref<240x48xf32, #tpu.memory_space<vmem>>) target(%dma_start3A_40 : memref<240x48xf32, #tpu.memory_space<vmem_shared>>) target_semaphore(%run_scoped3A_33 : memref<!tpu.dma_semaphore, #tpu.memory_space<semaphore_mem>>)
      %dma_wait3A_44 = arith.constant 0 : i32
      %dma_wait3A_45 = arith.constant 0 : i32
      %dma_wait3A_46 = tpu.memref_slice %arg8[%dma_wait3A_44, %dma_wait3A_45] : memref<400x48xf32, #tpu.memory_space<vmem>> -> memref<240x48xf32, #tpu.memory_space<vmem>>
      %dma_wait3A_47 = arith.constant 0 : i32
      %dma_wait3A_48 = tpu.memref_slice %arg10[%add3A_11, %dma_wait3A_47] : memref<10240x48xf32, #tpu.memory_space<vmem_shared>> -> memref<240x48xf32, #tpu.memory_space<vmem_shared>>
      %dma_wait3A_49 = arith.constant 0 : i32
      %dma_wait3A_50 = tpu.memref_slice %arg10[%add3A_11, %dma_wait3A_49] : memref<10240x48xf32, #tpu.memory_space<vmem_shared>> -> memref<240x48xf32, #tpu.memory_space<vmem_shared>>
      %dma_wait3A_51 = arith.constant 0 : i32
      %dma_wait3A_52 = arith.constant 0 : i32
      %dma_wait3A_53 = tpu.memref_slice %arg8[%dma_wait3A_51, %dma_wait3A_52] : memref<400x48xf32, #tpu.memory_space<vmem>> -> memref<240x48xf32, #tpu.memory_space<vmem>>
      tpu.wait_dma2 semaphore(%run_scoped3A_33 : memref<!tpu.dma_semaphore, #tpu.memory_space<semaphore_mem>>) src(%dma_wait3A_53 : memref<240x48xf32, #tpu.memory_space<vmem>>) dst(%dma_wait3A_50 : memref<240x48xf32, #tpu.memory_space<vmem_shared>>)
      tpu.yield
    }) : () -> ()
    "tpu.region"() ({
      %run_scoped3A_33 = tpu.sem_alloc : memref<!tpu.dma_semaphore, #tpu.memory_space<semaphore_mem>>
      %dma_start3A_34 = arith.constant 0 : i32
      %dma_start3A_35 = arith.constant 0 : i32
      %dma_start3A_36 = tpu.memref_slice %arg3[%add3A, %dma_start3A_34, %dma_start3A_35] : memref<32x25x400xi32, #tpu.memory_space<hbm>> -> memref<1x25x400xi32, #tpu.memory_space<hbm>>
      %dma_start3A_37 = tpu.memref_squeeze %dma_start3A_36 : memref<1x25x400xi32, #tpu.memory_space<hbm>> -> memref<25x400xi32, #tpu.memory_space<hbm>>
      %dma_start3A_38 = arith.constant 0 : i32
      %dma_start3A_39 = arith.constant 0 : i32
      %dma_start3A_40 = tpu.memref_slice %arg3[%add3A, %dma_start3A_38, %dma_start3A_39] : memref<32x25x400xi32, #tpu.memory_space<hbm>> -> memref<1x25x400xi32, #tpu.memory_space<hbm>>
      %dma_start3A_41 = tpu.memref_squeeze %dma_start3A_40 : memref<1x25x400xi32, #tpu.memory_space<hbm>> -> memref<25x400xi32, #tpu.memory_space<hbm>>
      tpu.enqueue_dma source(%dma_start3A_41 : memref<25x400xi32, #tpu.memory_space<hbm>>) target(%arg6 : memref<25x400xi32, #tpu.memory_space<vmem>>) target_semaphore(%run_scoped3A_33 : memref<!tpu.dma_semaphore, #tpu.memory_space<semaphore_mem>>)
      %dma_wait3A_42 = arith.constant 0 : i32
      %dma_wait3A_43 = arith.constant 0 : i32
      %dma_wait3A_44 = tpu.memref_slice %arg3[%add3A, %dma_wait3A_42, %dma_wait3A_43] : memref<32x25x400xi32, #tpu.memory_space<hbm>> -> memref<1x25x400xi32, #tpu.memory_space<hbm>>
      %dma_wait3A_45 = tpu.memref_squeeze %dma_wait3A_44 : memref<1x25x400xi32, #tpu.memory_space<hbm>> -> memref<25x400xi32, #tpu.memory_space<hbm>>
      %dma_wait3A_46 = arith.constant 0 : i32
      %dma_wait3A_47 = arith.constant 0 : i32
      %dma_wait3A_48 = tpu.memref_slice %arg3[%add3A, %dma_wait3A_46, %dma_wait3A_47] : memref<32x25x400xi32, #tpu.memory_space<hbm>> -> memref<1x25x400xi32, #tpu.memory_space<hbm>>
      %dma_wait3A_49 = tpu.memref_squeeze %dma_wait3A_48 : memref<1x25x400xi32, #tpu.memory_space<hbm>> -> memref<25x400xi32, #tpu.memory_space<hbm>>
      tpu.wait_dma2 semaphore(%run_scoped3A_33 : memref<!tpu.dma_semaphore, #tpu.memory_space<semaphore_mem>>) src(%dma_wait3A_49 : memref<25x400xi32, #tpu.memory_space<hbm>>) dst(%arg6 : memref<25x400xi32, #tpu.memory_space<vmem>>)
      tpu.yield
    }) : () -> ()
    "tpu.region"() ({
      %run_scoped3A_33 = tpu.sem_alloc : memref<!tpu.dma_semaphore, #tpu.memory_space<semaphore_mem>>
      %dma_start3A_34 = arith.constant 0 : i32
      %dma_start3A_35 = arith.constant 0 : i32
      %dma_start3A_36 = tpu.memref_slice %arg4[%add3A, %dma_start3A_34, %dma_start3A_35] : memref<32x25x400xi32, #tpu.memory_space<hbm>> -> memref<1x25x400xi32, #tpu.memory_space<hbm>>
      %dma_start3A_37 = tpu.memref_squeeze %dma_start3A_36 : memref<1x25x400xi32, #tpu.memory_space<hbm>> -> memref<25x400xi32, #tpu.memory_space<hbm>>
      %dma_start3A_38 = arith.constant 0 : i32
      %dma_start3A_39 = arith.constant 0 : i32
      %dma_start3A_40 = tpu.memref_slice %arg4[%add3A, %dma_start3A_38, %dma_start3A_39] : memref<32x25x400xi32, #tpu.memory_space<hbm>> -> memref<1x25x400xi32, #tpu.memory_space<hbm>>
      %dma_start3A_41 = tpu.memref_squeeze %dma_start3A_40 : memref<1x25x400xi32, #tpu.memory_space<hbm>> -> memref<25x400xi32, #tpu.memory_space<hbm>>
      tpu.enqueue_dma source(%dma_start3A_41 : memref<25x400xi32, #tpu.memory_space<hbm>>) target(%arg7 : memref<25x400xi32, #tpu.memory_space<vmem>>) target_semaphore(%run_scoped3A_33 : memref<!tpu.dma_semaphore, #tpu.memory_space<semaphore_mem>>)
      %dma_wait3A_42 = arith.constant 0 : i32
      %dma_wait3A_43 = arith.constant 0 : i32
      %dma_wait3A_44 = tpu.memref_slice %arg4[%add3A, %dma_wait3A_42, %dma_wait3A_43] : memref<32x25x400xi32, #tpu.memory_space<hbm>> -> memref<1x25x400xi32, #tpu.memory_space<hbm>>
      %dma_wait3A_45 = tpu.memref_squeeze %dma_wait3A_44 : memref<1x25x400xi32, #tpu.memory_space<hbm>> -> memref<25x400xi32, #tpu.memory_space<hbm>>
      %dma_wait3A_46 = arith.constant 0 : i32
      %dma_wait3A_47 = arith.constant 0 : i32
      %dma_wait3A_48 = tpu.memref_slice %arg4[%add3A, %dma_wait3A_46, %dma_wait3A_47] : memref<32x25x400xi32, #tpu.memory_space<hbm>> -> memref<1x25x400xi32, #tpu.memory_space<hbm>>
      %dma_wait3A_49 = tpu.memref_squeeze %dma_wait3A_48 : memref<1x25x400xi32, #tpu.memory_space<hbm>> -> memref<25x400xi32, #tpu.memory_space<hbm>>
      tpu.wait_dma2 semaphore(%run_scoped3A_33 : memref<!tpu.dma_semaphore, #tpu.memory_space<semaphore_mem>>) src(%dma_wait3A_49 : memref<25x400xi32, #tpu.memory_space<hbm>>) dst(%arg7 : memref<25x400xi32, #tpu.memory_space<vmem>>)
      tpu.yield
    }) : () -> ()
    %barrier3A = arith.constant 0 : index
    tpu.barrier barrier_id(%barrier3A)
    %dma_start3A = arith.constant 0 : i32
    %dma_start3A_12 = arith.constant 0 : i32
    %dma_start3A_13 = tpu.memref_slice %arg6[%dma_start3A, %dma_start3A_12] : memref<25x400xi32, #tpu.memory_space<vmem>> -> memref<1x400xi32, #tpu.memory_space<vmem>>
    %dma_start3A_14 = tpu.memref_squeeze %dma_start3A_13 : memref<1x400xi32, #tpu.memory_space<vmem>> -> memref<400xi32, #tpu.memory_space<vmem>>
    %dma_start3A_15 = arith.constant 0 : i32
    %dma_start3A_16 = arith.constant 0 : i32
    %dma_start3A_17 = tpu.memref_slice %arg2[%dma_start3A_15, %dma_start3A_16] : memref<10000x48xf32, #tpu.memory_space<hbm>> -> memref<10000x48xf32, #tpu.memory_space<hbm>>
    tpu.enqueue_indirect_dma source(%dma_start3A_17 : memref<10000x48xf32, #tpu.memory_space<hbm>>) target(%arg8 : memref<400x48xf32, #tpu.memory_space<vmem>>) offsets(%dma_start3A_14 : memref<400xi32, #tpu.memory_space<vmem>>) semaphore(%arg11 : memref<!tpu.dma_semaphore, #tpu.memory_space<semaphore_mem>>)
    %scan3A_18 = arith.constant 0 : i32
    %scan3A_19 = arith.constant 0 : i32
    %scan3A_20 = arith.constant 12 : i32
    %scan3A_21 = arith.addi %scan3A_19, %scan3A_20 : i32
    %scan3A_22 = arith.constant 1 : i32
    scf.for %scan3A_33 = %scan3A_19 to %scan3A_21 step %scan3A_22  : i32 {
      %mul3A_34 = arith.constant 2 : i32
      %mul3A_35 = arith.muli %mul3A_34, %scan3A_33 : i32
      %add3A_36 = arith.constant 1 : i32
      %add3A_37 = arith.addi %mul3A_35, %add3A_36 : i32
      %dma_start3A_38 = arith.constant 0 : i32
      %dma_start3A_39 = tpu.memref_slice %arg6[%add3A_37, %dma_start3A_38] : memref<25x400xi32, #tpu.memory_space<vmem>> -> memref<1x400xi32, #tpu.memory_space<vmem>>
      %dma_start3A_40 = tpu.memref_squeeze %dma_start3A_39 : memref<1x400xi32, #tpu.memory_space<vmem>> -> memref<400xi32, #tpu.memory_space<vmem>>
      %dma_start3A_41 = arith.constant 0 : i32
      %dma_start3A_42 = arith.constant 0 : i32
      %dma_start3A_43 = tpu.memref_slice %arg2[%dma_start3A_41, %dma_start3A_42] : memref<10000x48xf32, #tpu.memory_space<hbm>> -> memref<10000x48xf32, #tpu.memory_space<hbm>>
      tpu.enqueue_indirect_dma source(%dma_start3A_43 : memref<10000x48xf32, #tpu.memory_space<hbm>>) target(%arg9 : memref<400x48xf32, #tpu.memory_space<vmem>>) offsets(%dma_start3A_40 : memref<400xi32, #tpu.memory_space<vmem>>) semaphore(%arg12 : memref<!tpu.dma_semaphore, #tpu.memory_space<semaphore_mem>>)
      %dma_wait3A_44 = arith.constant 0 : i32
      %dma_wait3A_45 = arith.constant 0 : i32
      %dma_wait3A_46 = tpu.memref_slice %arg2[%dma_wait3A_44, %dma_wait3A_45] : memref<10000x48xf32, #tpu.memory_space<hbm>> -> memref<400x48xf32, #tpu.memory_space<hbm>>
      %dma_wait3A_47 = arith.constant 0 : i32
      %dma_wait3A_48 = arith.constant 0 : i32
      %dma_wait3A_49 = tpu.memref_slice %arg2[%dma_wait3A_47, %dma_wait3A_48] : memref<10000x48xf32, #tpu.memory_space<hbm>> -> memref<400x48xf32, #tpu.memory_space<hbm>>
      tpu.wait_dma2 semaphore(%arg11 : memref<!tpu.dma_semaphore, #tpu.memory_space<semaphore_mem>>) src(%dma_wait3A_49 : memref<400x48xf32, #tpu.memory_space<hbm>>) dst(%arg8 : memref<400x48xf32, #tpu.memory_space<vmem>>)
      "tpu.region"() ({
        %run_scoped3A_66 = tpu.sem_alloc : memref<!tpu.dma_semaphore, #tpu.memory_space<semaphore_mem>>
        %dma_start3A_67 = arith.constant 0 : i32
        %dma_start3A_68 = tpu.memref_slice %arg7[%mul3A_35, %dma_start3A_67] : memref<25x400xi32, #tpu.memory_space<vmem>> -> memref<1x400xi32, #tpu.memory_space<vmem>>
        %dma_start3A_69 = tpu.memref_squeeze %dma_start3A_68 : memref<1x400xi32, #tpu.memory_space<vmem>> -> memref<400xi32, #tpu.memory_space<vmem>>
        %dma_start3A_70 = arith.constant 0 : i32
        %dma_start3A_71 = arith.constant 0 : i32
        %dma_start3A_72 = tpu.memref_slice %arg10[%dma_start3A_70, %dma_start3A_71] : memref<10240x48xf32, #tpu.memory_space<vmem_shared>> -> memref<10240x48xf32, #tpu.memory_space<vmem_shared>>
        tpu.enqueue_indirect_dma source(%arg8 : memref<400x48xf32, #tpu.memory_space<vmem>>) target(%dma_start3A_72 : memref<10240x48xf32, #tpu.memory_space<vmem_shared>>) offsets(%dma_start3A_69 : memref<400xi32, #tpu.memory_space<vmem>>) semaphore(%run_scoped3A_66 : memref<!tpu.dma_semaphore, #tpu.memory_space<semaphore_mem>>) {add = true}
        %dma_wait3A_73 = arith.constant 0 : i32
        %dma_wait3A_74 = tpu.memref_slice %arg7[%mul3A_35, %dma_wait3A_73] : memref<25x400xi32, #tpu.memory_space<vmem>> -> memref<1x400xi32, #tpu.memory_space<vmem>>
        %dma_wait3A_75 = tpu.memref_squeeze %dma_wait3A_74 : memref<1x400xi32, #tpu.memory_space<vmem>> -> memref<400xi32, #tpu.memory_space<vmem>>
        %dma_wait3A_76 = arith.constant 0 : i32
        %dma_wait3A_77 = arith.constant 0 : i32
        %dma_wait3A_78 = tpu.memref_slice %arg10[%dma_wait3A_76, %dma_wait3A_77] : memref<10240x48xf32, #tpu.memory_space<vmem_shared>> -> memref<10240x48xf32, #tpu.memory_space<vmem_shared>>
        tpu.wait_indirect_dma semaphore(%run_scoped3A_66 : memref<!tpu.dma_semaphore, #tpu.memory_space<semaphore_mem>>) src(%arg8 : memref<400x48xf32, #tpu.memory_space<vmem>>) dst(%dma_wait3A_78 : memref<10240x48xf32, #tpu.memory_space<vmem_shared>>)
        tpu.yield
      }) : () -> ()
      %add3A_50 = arith.constant 2 : i32
      %add3A_51 = arith.addi %mul3A_35, %add3A_50 : i32
      %dma_start3A_52 = arith.constant 0 : i32
      %dma_start3A_53 = tpu.memref_slice %arg6[%add3A_51, %dma_start3A_52] : memref<25x400xi32, #tpu.memory_space<vmem>> -> memref<1x400xi32, #tpu.memory_space<vmem>>
      %dma_start3A_54 = tpu.memref_squeeze %dma_start3A_53 : memref<1x400xi32, #tpu.memory_space<vmem>> -> memref<400xi32, #tpu.memory_space<vmem>>
      %dma_start3A_55 = arith.constant 0 : i32
      %dma_start3A_56 = arith.constant 0 : i32
      %dma_start3A_57 = tpu.memref_slice %arg2[%dma_start3A_55, %dma_start3A_56] : memref<10000x48xf32, #tpu.memory_space<hbm>> -> memref<10000x48xf32, #tpu.memory_space<hbm>>
      tpu.enqueue_indirect_dma source(%dma_start3A_57 : memref<10000x48xf32, #tpu.memory_space<hbm>>) target(%arg8 : memref<400x48xf32, #tpu.memory_space<vmem>>) offsets(%dma_start3A_54 : memref<400xi32, #tpu.memory_space<vmem>>) semaphore(%arg11 : memref<!tpu.dma_semaphore, #tpu.memory_space<semaphore_mem>>)
      %dma_wait3A_58 = arith.constant 0 : i32
      %dma_wait3A_59 = arith.constant 0 : i32
      %dma_wait3A_60 = tpu.memref_slice %arg2[%dma_wait3A_58, %dma_wait3A_59] : memref<10000x48xf32, #tpu.memory_space<hbm>> -> memref<400x48xf32, #tpu.memory_space<hbm>>
      %dma_wait3A_61 = arith.constant 0 : i32
      %dma_wait3A_62 = arith.constant 0 : i32
      %dma_wait3A_63 = tpu.memref_slice %arg2[%dma_wait3A_61, %dma_wait3A_62] : memref<10000x48xf32, #tpu.memory_space<hbm>> -> memref<400x48xf32, #tpu.memory_space<hbm>>
      tpu.wait_dma2 semaphore(%arg12 : memref<!tpu.dma_semaphore, #tpu.memory_space<semaphore_mem>>) src(%dma_wait3A_63 : memref<400x48xf32, #tpu.memory_space<hbm>>) dst(%arg9 : memref<400x48xf32, #tpu.memory_space<vmem>>)
      %add3A_64 = arith.constant 1 : i32
      %add3A_65 = arith.addi %mul3A_35, %add3A_64 : i32
      "tpu.region"() ({
        %run_scoped3A_66 = tpu.sem_alloc : memref<!tpu.dma_semaphore, #tpu.memory_space<semaphore_mem>>
        %dma_start3A_67 = arith.constant 0 : i32
        %dma_start3A_68 = tpu.memref_slice %arg7[%add3A_65, %dma_start3A_67] : memref<25x400xi32, #tpu.memory_space<vmem>> -> memref<1x400xi32, #tpu.memory_space<vmem>>
        %dma_start3A_69 = tpu.memref_squeeze %dma_start3A_68 : memref<1x400xi32, #tpu.memory_space<vmem>> -> memref<400xi32, #tpu.memory_space<vmem>>
        %dma_start3A_70 = arith.constant 0 : i32
        %dma_start3A_71 = arith.constant 0 : i32
        %dma_start3A_72 = tpu.memref_slice %arg10[%dma_start3A_70, %dma_start3A_71] : memref<10240x48xf32, #tpu.memory_space<vmem_shared>> -> memref<10240x48xf32, #tpu.memory_space<vmem_shared>>
        tpu.enqueue_indirect_dma source(%arg9 : memref<400x48xf32, #tpu.memory_space<vmem>>) target(%dma_start3A_72 : memref<10240x48xf32, #tpu.memory_space<vmem_shared>>) offsets(%dma_start3A_69 : memref<400xi32, #tpu.memory_space<vmem>>) semaphore(%run_scoped3A_66 : memref<!tpu.dma_semaphore, #tpu.memory_space<semaphore_mem>>) {add = true}
        %dma_wait3A_73 = arith.constant 0 : i32
        %dma_wait3A_74 = tpu.memref_slice %arg7[%add3A_65, %dma_wait3A_73] : memref<25x400xi32, #tpu.memory_space<vmem>> -> memref<1x400xi32, #tpu.memory_space<vmem>>
        %dma_wait3A_75 = tpu.memref_squeeze %dma_wait3A_74 : memref<1x400xi32, #tpu.memory_space<vmem>> -> memref<400xi32, #tpu.memory_space<vmem>>
        %dma_wait3A_76 = arith.constant 0 : i32
        %dma_wait3A_77 = arith.constant 0 : i32
        %dma_wait3A_78 = tpu.memref_slice %arg10[%dma_wait3A_76, %dma_wait3A_77] : memref<10240x48xf32, #tpu.memory_space<vmem_shared>> -> memref<10240x48xf32, #tpu.memory_space<vmem_shared>>
        tpu.wait_indirect_dma semaphore(%run_scoped3A_66 : memref<!tpu.dma_semaphore, #tpu.memory_space<semaphore_mem>>) src(%arg9 : memref<400x48xf32, #tpu.memory_space<vmem>>) dst(%dma_wait3A_78 : memref<10240x48xf32, #tpu.memory_space<vmem_shared>>)
        tpu.yield
      }) : () -> ()
    }
    %scan3A_23 = arith.constant 12 : i32
    %dma_wait3A = arith.constant 0 : i32
    %dma_wait3A_24 = arith.constant 0 : i32
    %dma_wait3A_25 = tpu.memref_slice %arg2[%dma_wait3A, %dma_wait3A_24] : memref<10000x48xf32, #tpu.memory_space<hbm>> -> memref<400x48xf32, #tpu.memory_space<hbm>>
    %dma_wait3A_26 = arith.constant 0 : i32
    %dma_wait3A_27 = arith.constant 0 : i32
    %dma_wait3A_28 = tpu.memref_slice %arg2[%dma_wait3A_26, %dma_wait3A_27] : memref<10000x48xf32, #tpu.memory_space<hbm>> -> memref<400x48xf32, #tpu.memory_space<hbm>>
    tpu.wait_dma2 semaphore(%arg11 : memref<!tpu.dma_semaphore, #tpu.memory_space<semaphore_mem>>) src(%dma_wait3A_28 : memref<400x48xf32, #tpu.memory_space<hbm>>) dst(%arg8 : memref<400x48xf32, #tpu.memory_space<vmem>>)
    %run_scoped3A = arith.constant 24 : i32
    "tpu.region"() ({
      %run_scoped3A_33 = tpu.sem_alloc : memref<!tpu.dma_semaphore, #tpu.memory_space<semaphore_mem>>
      %dma_start3A_34 = arith.constant 0 : i32
      %dma_start3A_35 = tpu.memref_slice %arg7[%run_scoped3A, %dma_start3A_34] : memref<25x400xi32, #tpu.memory_space<vmem>> -> memref<1x400xi32, #tpu.memory_space<vmem>>
      %dma_start3A_36 = tpu.memref_squeeze %dma_start3A_35 : memref<1x400xi32, #tpu.memory_space<vmem>> -> memref<400xi32, #tpu.memory_space<vmem>>
      %dma_start3A_37 = arith.constant 0 : i32
      %dma_start3A_38 = arith.constant 0 : i32
      %dma_start3A_39 = tpu.memref_slice %arg10[%dma_start3A_37, %dma_start3A_38] : memref<10240x48xf32, #tpu.memory_space<vmem_shared>> -> memref<10240x48xf32, #tpu.memory_space<vmem_shared>>
      tpu.enqueue_indirect_dma source(%arg8 : memref<400x48xf32, #tpu.memory_space<vmem>>) target(%dma_start3A_39 : memref<10240x48xf32, #tpu.memory_space<vmem_shared>>) offsets(%dma_start3A_36 : memref<400xi32, #tpu.memory_space<vmem>>) semaphore(%run_scoped3A_33 : memref<!tpu.dma_semaphore, #tpu.memory_space<semaphore_mem>>) {add = true}
      %dma_wait3A_40 = arith.constant 0 : i32
      %dma_wait3A_41 = tpu.memref_slice %arg7[%run_scoped3A, %dma_wait3A_40] : memref<25x400xi32, #tpu.memory_space<vmem>> -> memref<1x400xi32, #tpu.memory_space<vmem>>
      %dma_wait3A_42 = tpu.memref_squeeze %dma_wait3A_41 : memref<1x400xi32, #tpu.memory_space<vmem>> -> memref<400xi32, #tpu.memory_space<vmem>>
      %dma_wait3A_43 = arith.constant 0 : i32
      %dma_wait3A_44 = arith.constant 0 : i32
      %dma_wait3A_45 = tpu.memref_slice %arg10[%dma_wait3A_43, %dma_wait3A_44] : memref<10240x48xf32, #tpu.memory_space<vmem_shared>> -> memref<10240x48xf32, #tpu.memory_space<vmem_shared>>
      tpu.wait_indirect_dma semaphore(%run_scoped3A_33 : memref<!tpu.dma_semaphore, #tpu.memory_space<semaphore_mem>>) src(%arg8 : memref<400x48xf32, #tpu.memory_space<vmem>>) dst(%dma_wait3A_45 : memref<10240x48xf32, #tpu.memory_space<vmem_shared>>)
      tpu.yield
    }) : () -> ()
    %barrier3A_29 = arith.constant 0 : index
    tpu.barrier barrier_id(%barrier3A_29)
    %mul3A_30 = arith.constant 10240 : i32
    %mul3A_31 = arith.muli %arg0, %mul3A_30 : i32
    %add3A_32 = arith.addi %mul3A_31, %mul3A_2 : i32
    "tpu.region"() ({
      %run_scoped3A_33 = tpu.sem_alloc : memref<!tpu.dma_semaphore, #tpu.memory_space<semaphore_mem>>
      %dma_start3A_34 = arith.constant 0 : i32
      %dma_start3A_35 = tpu.memref_slice %arg5[%add3A_32, %dma_start3A_34] : memref<20480x48xf32, #tpu.memory_space<hbm>> -> memref<640x48xf32, #tpu.memory_space<hbm>>
      %dma_start3A_36 = arith.constant 0 : i32
      %dma_start3A_37 = tpu.memref_slice %arg10[%mul3A_2, %dma_start3A_36] : memref<10240x48xf32, #tpu.memory_space<vmem_shared>> -> memref<640x48xf32, #tpu.memory_space<vmem_shared>>
      tpu.enqueue_dma source(%dma_start3A_37 : memref<640x48xf32, #tpu.memory_space<vmem_shared>>) target(%dma_start3A_35 : memref<640x48xf32, #tpu.memory_space<hbm>>) target_semaphore(%run_scoped3A_33 : memref<!tpu.dma_semaphore, #tpu.memory_space<semaphore_mem>>)
      %dma_wait3A_38 = arith.constant 0 : i32
      %dma_wait3A_39 = tpu.memref_slice %arg5[%add3A_32, %dma_wait3A_38] : memref<20480x48xf32, #tpu.memory_space<hbm>> -> memref<640x48xf32, #tpu.memory_space<hbm>>
      %dma_wait3A_40 = arith.constant 0 : i32
      %dma_wait3A_41 = tpu.memref_slice %arg10[%mul3A_2, %dma_wait3A_40] : memref<10240x48xf32, #tpu.memory_space<vmem_shared>> -> memref<640x48xf32, #tpu.memory_space<vmem_shared>>
      tpu.wait_dma2 semaphore(%run_scoped3A_33 : memref<!tpu.dma_semaphore, #tpu.memory_space<semaphore_mem>>) src(%dma_wait3A_41 : memref<640x48xf32, #tpu.memory_space<vmem_shared>>) dst(%dma_wait3A_39 : memref<640x48xf32, #tpu.memory_space<hbm>>)
      tpu.yield
    }) : () -> ()
    return
  }
}

module attributes {stable_mosaic.version = 14 : i64} {
  func.func @_h1_body(%arg0: memref<4x10240xf32, #tpu.memory_space<vmem>>, %arg1: memref<10000x128xf32, #tpu.memory_space<vmem>>, %arg2: memref<10000x128xf32, #tpu.memory_space<vmem>>) attributes {dimension_semantics = [], scalar_prefetch = 0 : i64, scratch_operands = 0 : i64, tpu.core_type = #tpu.core_type<tc>} {
    %get3A = arith.constant 0 : index
    %get3A_0 = arith.constant 0 : index
    %get3A_1 = vector.load %arg0[%get3A, %get3A_0] : memref<4x10240xf32, #tpu.memory_space<vmem>>, vector<4x10240xf32>
    %transpose3A = tpu.transpose %get3A_1, [1, 0] : vector<4x10240xf32> -> vector<10240x4xf32>
    %slice3A = vector.extract_strided_slice %transpose3A {offsets = [0, 0], sizes = [10000, 4], strides = [1, 1]} : vector<10240x4xf32> to vector<10000x4xf32>
    %slice3A_2 = vector.extract_strided_slice %slice3A {offsets = [0, 0], sizes = [10000, 1], strides = [1, 1]} : vector<10000x4xf32> to vector<10000x1xf32>
    %slice3A_3 = vector.extract_strided_slice %slice3A {offsets = [0, 1], sizes = [10000, 1], strides = [1, 1]} : vector<10000x4xf32> to vector<10000x1xf32>
    %add3A = arith.addf %slice3A_2, %slice3A_3 : vector<10000x1xf32>
    %max3A = arith.constant 1.000000e+00 : f32
    %max3A_4 = vector.broadcast %max3A : f32 to vector<10000x1xf32>
    %max3A_5 = arith.maximumf %add3A, %max3A_4 : vector<10000x1xf32>
    %rsqrt3A = math.rsqrt %max3A_5 : vector<10000x1xf32>
    %get3A_6 = arith.constant 0 : index
    %get3A_7 = arith.constant 0 : index
    %get3A_8 = vector.load %arg1[%get3A_6, %get3A_7] : memref<10000x128xf32, #tpu.memory_space<vmem>>, vector<10000x128xf32>
    %mul3A = vector.broadcast %rsqrt3A : vector<10000x1xf32> to vector<10000x128xf32>
    %mul3A_9 = arith.mulf %get3A_8, %mul3A : vector<10000x128xf32>
    %swap3A = arith.constant 0 : index
    %swap3A_10 = arith.constant 0 : index
    %swap3A_11 = vector.load %arg2[%swap3A, %swap3A_10] : memref<10000x128xf32, #tpu.memory_space<vmem>>, vector<10000x128xf32>
    tpu.vector_store %arg2[%swap3A, %swap3A_10], %mul3A_9 {strides = array<i32>} : memref<10000x128xf32, #tpu.memory_space<vmem>>, vector<10000x128xf32>,
    return
  }
}

module attributes {stable_mosaic.version = 14 : i64} {
  func.func @_mid_body(%arg0: memref<20480x128xf32, #tpu.memory_space<vmem>>, %arg1: memref<4x10240xf32, #tpu.memory_space<vmem>>, %arg2: memref<128x128xf32, #tpu.memory_space<vmem>>, %arg3: memref<128xf32, #tpu.memory_space<vmem>>, %arg4: memref<128x48xf32, #tpu.memory_space<vmem>>, %arg5: memref<10000x48xf32, #tpu.memory_space<vmem>>) attributes {dimension_semantics = [], scalar_prefetch = 0 : i64, scratch_operands = 0 : i64, tpu.core_type = #tpu.core_type<tc>} {
    %get3A = arith.constant 0 : index
    %get3A_0 = arith.constant 0 : index
    %get3A_1 = vector.load %arg1[%get3A, %get3A_0] : memref<4x10240xf32, #tpu.memory_space<vmem>>, vector<4x10240xf32>
    %transpose3A = tpu.transpose %get3A_1, [1, 0] : vector<4x10240xf32> -> vector<10240x4xf32>
    %slice3A = vector.extract_strided_slice %transpose3A {offsets = [0, 0], sizes = [10000, 4], strides = [1, 1]} : vector<10240x4xf32> to vector<10000x4xf32>
    %slice3A_2 = vector.extract_strided_slice %slice3A {offsets = [0, 0], sizes = [10000, 1], strides = [1, 1]} : vector<10000x4xf32> to vector<10000x1xf32>
    %slice3A_3 = vector.extract_strided_slice %slice3A {offsets = [0, 1], sizes = [10000, 1], strides = [1, 1]} : vector<10000x4xf32> to vector<10000x1xf32>
    %add3A = arith.addf %slice3A_2, %slice3A_3 : vector<10000x1xf32>
    %slice3A_4 = vector.extract_strided_slice %slice3A {offsets = [0, 2], sizes = [10000, 1], strides = [1, 1]} : vector<10000x4xf32> to vector<10000x1xf32>
    %slice3A_5 = vector.extract_strided_slice %slice3A {offsets = [0, 3], sizes = [10000, 1], strides = [1, 1]} : vector<10000x4xf32> to vector<10000x1xf32>
    %add3A_6 = arith.addf %slice3A_4, %slice3A_5 : vector<10000x1xf32>
    %max3A = arith.constant 1.000000e+00 : f32
    %max3A_7 = vector.broadcast %max3A : f32 to vector<10000x1xf32>
    %max3A_8 = arith.maximumf %add3A, %max3A_7 : vector<10000x1xf32>
    %rsqrt3A = math.rsqrt %max3A_8 : vector<10000x1xf32>
    %max3A_9 = arith.constant 1.000000e+00 : f32
    %max3A_10 = vector.broadcast %max3A_9 : f32 to vector<10000x1xf32>
    %max3A_11 = arith.maximumf %add3A_6, %max3A_10 : vector<10000x1xf32>
    %rsqrt3A_12 = math.rsqrt %max3A_11 : vector<10000x1xf32>
    %get3A_13 = arith.constant 0 : index
    %get3A_14 = arith.constant 0 : index
    %get3A_15 = vector.load %arg0[%get3A_13, %get3A_14] : memref<20480x128xf32, #tpu.memory_space<vmem>>, vector<10000x128xf32>
    %get3A_16 = arith.constant 10240 : index
    %get3A_17 = arith.constant 0 : index
    %get3A_18 = vector.load %arg0[%get3A_16, %get3A_17] : memref<20480x128xf32, #tpu.memory_space<vmem>>, vector<10000x128xf32>
    %add3A_19 = arith.addf %get3A_15, %get3A_18 : vector<10000x128xf32>
    %get3A_20 = arith.constant 0 : index
    %get3A_21 = arith.constant 0 : index
    %get3A_22 = vector.load %arg2[%get3A_20, %get3A_21] : memref<128x128xf32, #tpu.memory_space<vmem>>, vector<128x128xf32>
    %dot_general3A = arith.constant dense<0.000000e+00> : vector<10000x128xf32>
    %dot_general3A_23 = tpu.matmul %add3A_19, %get3A_22, %dot_general3A {dimension_numbers = #tpu.dot_dimension_numbers<[1], [0], [0], [1], [0, 0, 1, 1], [], []>, transpose_lhs_hint = false} : vector<10000x128xf32>, vector<128x128xf32>, vector<10000x128xf32> -> vector<10000x128xf32>
    %mul3A = vector.broadcast %rsqrt3A_12 : vector<10000x1xf32> to vector<10000x128xf32>
    %mul3A_24 = arith.mulf %dot_general3A_23, %mul3A : vector<10000x128xf32>
    %get3A_25 = arith.constant 0 : index
    %get3A_26 = vector.load %arg3[%get3A_25] : memref<128xf32, #tpu.memory_space<vmem>>, vector<128xf32>
    %broadcast_in_dim3A = vector.shape_cast %get3A_26 : vector<128xf32> to vector<1x128xf32>
    %add3A_27 = vector.broadcast %broadcast_in_dim3A : vector<1x128xf32> to vector<10000x128xf32>
    %add3A_28 = arith.addf %mul3A_24, %add3A_27 : vector<10000x128xf32>
    %max3A_29 = arith.constant 0.000000e+00 : f32
    %max3A_30 = vector.broadcast %max3A_29 : f32 to vector<10000x128xf32>
    %max3A_31 = arith.maximumf %add3A_28, %max3A_30 : vector<10000x128xf32>
    %mul3A_32 = vector.broadcast %rsqrt3A : vector<10000x1xf32> to vector<10000x128xf32>
    %mul3A_33 = arith.mulf %max3A_31, %mul3A_32 : vector<10000x128xf32>
    %get3A_34 = arith.constant 0 : index
    %get3A_35 = arith.constant 0 : index
    %get3A_36 = vector.load %arg4[%get3A_34, %get3A_35] : memref<128x48xf32, #tpu.memory_space<vmem>>, vector<128x48xf32>
    %dot_general3A_37 = arith.constant dense<0.000000e+00> : vector<10000x48xf32>
    %dot_general3A_38 = tpu.matmul %mul3A_33, %get3A_36, %dot_general3A_37 {dimension_numbers = #tpu.dot_dimension_numbers<[1], [0], [0], [1], [0, 0, 1, 1], [], []>, transpose_lhs_hint = false} : vector<10000x128xf32>, vector<128x48xf32>, vector<10000x48xf32> -> vector<10000x48xf32>
    %swap3A = arith.constant 0 : index
    %swap3A_39 = arith.constant 0 : index
    %swap3A_40 = vector.load %arg5[%swap3A, %swap3A_39] : memref<10000x48xf32, #tpu.memory_space<vmem>>, vector<10000x48xf32>
    tpu.vector_store %arg5[%swap3A, %swap3A_39], %dot_general3A_38 {strides = array<i32>} : memref<10000x48xf32, #tpu.memory_space<vmem>>, vector<10000x48xf32>,
    return
  }
}

module attributes {stable_mosaic.version = 14 : i64} {
  func.func @_fin_body(%arg0: memref<20480x48xf32, #tpu.memory_space<vmem>>, %arg1: memref<4x10240xf32, #tpu.memory_space<vmem>>, %arg2: memref<40xf32, #tpu.memory_space<vmem>>, %arg3: memref<40x10000xf32, #tpu.memory_space<vmem>>) attributes {dimension_semantics = [], scalar_prefetch = 0 : i64, scratch_operands = 0 : i64, tpu.core_type = #tpu.core_type<tc>} {
    %get3A = arith.constant 0 : index
    %get3A_0 = arith.constant 0 : index
    %get3A_1 = vector.load %arg1[%get3A, %get3A_0] : memref<4x10240xf32, #tpu.memory_space<vmem>>, vector<4x10240xf32>
    %transpose3A = tpu.transpose %get3A_1, [1, 0] : vector<4x10240xf32> -> vector<10240x4xf32>
    %slice3A = vector.extract_strided_slice %transpose3A {offsets = [0, 0], sizes = [10000, 4], strides = [1, 1]} : vector<10240x4xf32> to vector<10000x4xf32>
    %slice3A_2 = vector.extract_strided_slice %slice3A {offsets = [0, 2], sizes = [10000, 1], strides = [1, 1]} : vector<10000x4xf32> to vector<10000x1xf32>
    %slice3A_3 = vector.extract_strided_slice %slice3A {offsets = [0, 3], sizes = [10000, 1], strides = [1, 1]} : vector<10000x4xf32> to vector<10000x1xf32>
    %add3A = arith.addf %slice3A_2, %slice3A_3 : vector<10000x1xf32>
    %max3A = arith.constant 1.000000e+00 : f32
    %max3A_4 = vector.broadcast %max3A : f32 to vector<10000x1xf32>
    %max3A_5 = arith.maximumf %add3A, %max3A_4 : vector<10000x1xf32>
    %rsqrt3A = math.rsqrt %max3A_5 : vector<10000x1xf32>
    %get3A_6 = arith.constant 0 : index
    %get3A_7 = arith.constant 0 : index
    %get3A_8 = vector.load %arg0[%get3A_6, %get3A_7] : memref<20480x48xf32, #tpu.memory_space<vmem>>, vector<10000x48xf32>
    %get3A_9 = arith.constant 10240 : index
    %get3A_10 = arith.constant 0 : index
    %get3A_11 = vector.load %arg0[%get3A_9, %get3A_10] : memref<20480x48xf32, #tpu.memory_space<vmem>>, vector<10000x48xf32>
    %add3A_12 = arith.addf %get3A_8, %get3A_11 : vector<10000x48xf32>
    %slice3A_13 = vector.extract_strided_slice %add3A_12 {offsets = [0, 0], sizes = [10000, 40], strides = [1, 1]} : vector<10000x48xf32> to vector<10000x40xf32>
    %mul3A = vector.broadcast %rsqrt3A : vector<10000x1xf32> to vector<10000x40xf32>
    %mul3A_14 = arith.mulf %slice3A_13, %mul3A : vector<10000x40xf32>
    %get3A_15 = arith.constant 0 : index
    %get3A_16 = vector.load %arg2[%get3A_15] : memref<40xf32, #tpu.memory_space<vmem>>, vector<40xf32>
    %broadcast_in_dim3A = vector.shape_cast %get3A_16 : vector<40xf32> to vector<1x40xf32>
    %add3A_17 = vector.broadcast %broadcast_in_dim3A : vector<1x40xf32> to vector<10000x40xf32>
    %add3A_18 = arith.addf %mul3A_14, %add3A_17 : vector<10000x40xf32>
    %transpose3A_19 = tpu.transpose %add3A_18, [1, 0] : vector<10000x40xf32> -> vector<40x10000xf32>
    %swap3A = arith.constant 0 : index
    %swap3A_20 = arith.constant 0 : index
    %swap3A_21 = vector.load %arg3[%swap3A, %swap3A_20] : memref<40x10000xf32, #tpu.memory_space<vmem>>, vector<40x10000xf32>
    tpu.vector_store %arg3[%swap3A, %swap3A_20], %transpose3A_19 {strides = array<i32>} : memref<40x10000xf32, #tpu.memory_space<vmem>>, vector<40x10000xf32>,
    return
  }
}

</mosaic_0001>

<sc_bundles>
// kernel: kernel.11.cloned.1.call-start
scs
__scs_entry_jumppad:
0x0: {  	(pc) =	sbr.rel $0x88, $3  }
0x1: {  	(tag) =	ssettag $0x0;
	lr =	simm.s32 $0x1  }
0x2: {  	[smem:$0x3F9B] =	sst lr;
	_ =	strace $0xD0000000  }
0x3: {  	_ = 	snop  }
0x4: {  	_ = 	snop  }
0x5: {  	_ = 	snop  }
0x6: {  	_ = 	snop  }
0x7: {  	_ = 	snop  }
__scs_overlays_trampoline_lowered:
0x8: {  	[smem:$0x3FAA] =	sst s0  }
0x9: {  	[smem:$0x3FAB] =	sst s1  }
0xa: {  	[smem:$0x3FAC] =	sst s2  }
0xb: {  	[smem:$0x3FAD] =	sst s3  }
0xc: {  	[smem:$0x3FAE] =	sst s4  }
0xd: {  	[smem:$0x3FAF] =	sst s5  }
0xe: {  	[smem:$0x3FB0] =	sst s6  }
0xf: {  	[smem:$0x3FB1] =	sst s7  }
0x10: {  	[smem:$0x3FB2] =	sst s8  }
0x11: {  	[smem:$0x3FB3] =	sst s9;
	s0 =	simm.s32 @!p0 $0x0  }
0x12: {  	s1 =	sld [smem:$0x3F99];
	s0 =	simm.s32 @p0 $0x1  }
0x13: {  	[smem:$0x3FB4] =	sst s0;
	s0 =	simm.s32 @!p1 $0x0  }
0x14: {  	s2 =	sld [smem:$0x3F98];
	s0 =	simm.s32 @p1 $0x1  }
0x15: {  	[smem:$0x3FB5] =	sst s0;
	s0 =	simm.s32 @!p2 $0x0  }
0x16: {  	s3 =	sld [smem:$0x3FDB];
	s0 =	simm.s32 @p2 $0x1  }
0x17: {  	s4 =	simm.s32 $0x1BF5;
	[smem:$0x3FB7] =	sst s0  }
0x18: {  	s0 =	sld [smem:$0x3F9A];
	_ =	swait.ge [sflag:s4], $0x0  }
0x19: {  	s7 =	sld [smem:$0x3F9B]  }
0x1a: {  	s8 =	sadd.s32 $0xFFFFE003, lr  }
0x1b: {  	s9 =	sadd.s32 $0xFFFFFEF7, lr;
	s5 =	simm.s32 $0xFFFFFFFF;
	p2 =	slt.u32 s8, $0xFFFFF086  }
0x1c: {  	p1 =	slt.u32 s9, $0xF7A;
	s5 =	simm.s32 @!p2 $0x0  }
0x1d: {  	s5 =	simm.s32 @p1 $0x1;
	p0 =	seq.s32 s7, s2  }
0x1e: {  	s7 =	smul.u32 @!p0 $0xF7A, s2;
	p2 =	seq.s32 @!p0 s5, $0x0  }
0x1f: {  	s9 =	smul.u32 $0xF7A, s1;
	s8 =	simm.s32 @!p0 $0x1BF5;
	p2 =	por !p2, p0  }
0x20: {  	[sflag:s8] =	ssyncset.s32 @!p0 $0xFFFFF086;
	s6 =	sadd.s32 @!p0 s3, s7;
	s7 =	simm.s32 @!p0 $0x108  }
0x21: {  	s3 =	sadd.s32 s3, s9;
	s6 =	sadd.s32 @!p0 $0x88, s6;
	s7 =	simm.s32 @p2 $0x1082  }
0x22: {  	[simem:s7], [sflag:s8] =	dma.local @!p0 [hbm:s6], $0xF7A  }
0x23: {  	s9 =	sor.u32 $0xD0000000, s2;
	s6 =	simm.s32 $0x108;
	_ =	swait.ge @!p0 [sflag:s8], $0x0  }
0x24: {  	s3 =	sadd.s32 $0x88, s3;
	s6 =	simm.s32 @!p1 $0x1082;
	[sflag:s4] =	ssyncset.s32 $0xFFFFF086  }
0x25: {  	[simem:s6], [sflag:s4] =	dma.local [hbm:s3], $0xF7A  }
0x26: {  	[smem:$0x3F9B] =	sst s1;
	(tag) =	ssettag s2;
	_ =	strace s9  }
0x27: {  	s1 =	sld [smem:$0x3FAB]  }
0x28: {  	s2 =	sld [smem:$0x3FAC]  }
0x29: {  	s4 =	sld [smem:$0x3FAE]  }
0x2a: {  	p0 =	seq.s32 s5, $0x0;
	s5 =	sld [smem:$0x3FAF]  }
0x2b: {  	s6 =	sld [smem:$0x3FB0]  }
0x2c: {  	s7 =	sld [smem:$0x3FB1]  }
0x2d: {  	s3 =	simm.s32 $0x108;
	s8 =	sld [smem:$0x3FB2]  }
0x2e: {  	s3 =	simm.s32 @!p0 $0x1082;
	s9 =	sld [smem:$0x3FB3]  }
0x2f: {  	lr =	sadd.s32 s0, s3;
	s0 =	sld [smem:$0x3FAA]  }
0x30: {  	s3 =	sld [smem:$0x3FAD]  }
0x31: {  	[smem:$0x3FB6] =	sst s10  }
0x32: {  	s10 =	sld [smem:$0x3FB4];
	_ =	sdelay $0x3  }
0x33: {  	p0 =	seq.s32 s10, $0x1;
	s10 =	sld [smem:$0x3FB6];
	_ =	sdelay $0x3  }
0x34: {  	[smem:$0x3FB6] =	sst s10  }
0x35: {  	s10 =	sld [smem:$0x3FB5];
	_ =	sdelay $0x3  }
0x36: {  	p1 =	seq.s32 s10, $0x1;
	s10 =	sld [smem:$0x3FB6];
	_ =	sdelay $0x3  }
0x37: {  	[smem:$0x3FB6] =	sst s10  }
0x38: {  	s10 =	sld [smem:$0x3FB7]  }
0x39: {  	_ = 	snop;
	(pc) =	sbr.ind lr, $3  }
0x3a: {  	_ = 	snop  }
0x3b: {  	_ = 	snop  }
0x3c: {  	p2 =	seq.s32 s10, $0x1;
	s10 =	sld [smem:$0x3FB6]  }
0x3d: {  	_ =	shalt  }
0x3e: {  	_ =	shalt  }
0x3f: {  	_ =	shalt  }
0x40: {  	_ =	shalt  }
0x41: {  	_ =	shalt  }
0x42: {  	_ =	shalt  }
0x43: {  	_ =	shalt  }
0x44: {  	_ =	shalt  }
0x45: {  	_ =	shalt  }
0x46: {  	_ =	shalt  }
0x47: {  	_ =	shalt  }
0x48: {  	_ =	shalt  }
0x49: {  	_ =	shalt  }
0x4a: {  	_ =	shalt  }
0x4b: {  	_ =	shalt  }
0x4c: {  	_ =	shalt  }
0x4d: {  	_ =	shalt  }
0x4e: {  	_ =	shalt  }
0x4f: {  	_ =	shalt  }
0x50: {  	_ =	shalt  }
0x51: {  	_ =	shalt  }
0x52: {  	_ =	shalt  }
0x53: {  	_ =	shalt  }
0x54: {  	_ =	shalt  }
0x55: {  	_ =	shalt  }
0x56: {  	_ =	shalt  }
0x57: {  	_ =	shalt  }
0x58: {  	_ =	shalt  }
0x59: {  	_ =	shalt  }
0x5a: {  	_ =	shalt  }
0x5b: {  	_ =	shalt  }
0x5c: {  	_ =	shalt  }
0x5d: {  	_ =	shalt  }
0x5e: {  	_ =	shalt  }
0x5f: {  	_ =	shalt  }
0x60: {  	_ =	shalt  }
0x61: {  	_ =	shalt  }
0x62: {  	_ =	shalt  }
0x63: {  	_ =	shalt  }
0x64: {  	_ =	shalt  }
0x65: {  	_ =	shalt  }
0x66: {  	_ =	shalt  }
0x67: {  	_ =	shalt  }
0x68: {  	_ =	shalt  }
0x69: {  	_ =	shalt  }
0x6a: {  	_ =	shalt  }
0x6b: {  	_ =	shalt  }
0x6c: {  	_ =	shalt  }
0x6d: {  	_ =	shalt  }
0x6e: {  	_ =	shalt  }
0x6f: {  	_ =	shalt  }
0x70: {  	_ =	shalt  }
0x71: {  	_ =	shalt  }
0x72: {  	_ =	shalt  }
0x73: {  	_ =	shalt  }
0x74: {  	_ =	shalt  }
0x75: {  	_ =	shalt  }
0x76: {  	_ =	shalt  }
0x77: {  	_ =	shalt  }
0x78: {  	_ =	shalt  }
0x79: {  	_ =	shalt  }
0x7a: {  	_ =	shalt  }
0x7b: {  	_ =	shalt  }
0x7c: {  	_ =	shalt  }
0x7d: {  	_ =	shalt  }
0x7e: {  	_ =	shalt  }
0x7f: {  	_ =	shalt  }
0x80: {  	_ =	shalt  }
0x81: {  	_ =	shalt  }
0x82: {  	_ =	shalt  }
0x83: {  	_ =	shalt  }
0x84: {  	_ =	shalt  }
0x85: {  	_ =	shalt  }
0x86: {  	_ =	shalt  }
0x87: {  	_ =	shalt  }
.Lfunc_end0:
.L_simem_size_0:
called_computation.1_lowered:
.L_overlay_start_0:
0x88: {  	s2 =	sld [smem:$0x3FD9]  }
0x89: {  	s3 =	sld [smem:$0x3FFE];
	_ =	sdelay $0x1  }
0x8a: {  	s1 =	srdreg.scid  }
0x8b: {  	s0 =	sand.u32 $0x1, s1  }
0x8c: {  	s17 =	sshll.u32 s0, $0xA;
	s2 =	sadd.s32 s3, s2  }
0x8d: {  	s2 =	sadd.s32 s2, s17  }
0x8e: {  	[smem:$0x3FC2] =	sst s2  }
0x8f: {  	_ = 	snop  }
0x90: {  	s2 =	sld [smem:$0x3FD0];
	(tm) =	ssettm $0x1  }
0x91: {  	s18 =	sld [smem:$0x3FFB];
	_ =	sdelay $0x3  }
0x92: {  	_ =	strace s18  }
0x93: {  	s3 =	sld [smem:$0x3FFC];
	_ =	sdelay $0x3  }
0x94: {  	_ =	strace s3  }
0x95: {  	s3 =	sld [smem:$0x3FFD];
	_ =	sdelay $0x3  }
0x96: {  	_ =	strace s3  }
0x97: {  	_ =	strace $0x8FFFFFFF  }
0x98: {  	s19 =	sld [smem:$0x3FDB];
	_ =	sdelay $0x1  }
0x99: {  	s4 =	simm.s32 $_scs_section_size  }
0x9a: {  	s5 =	simm.s32 $_size__tile_overlayer_lowered;
	s6 =	simm.s32 $_tile_overlayer_lowered  }
0x9b: {  	s22 =	simm.s32 $0x1BFF;
	s21 =	sshll.u32 s6, $0x1;
	s3 =	sadd.s32 s4, s19  }
0x9c: {  	s7 =	simm.s32 $0x0;
	s20 =	sshll.u32 s5, $0x1;
	s5 =	sadd.s32 s21, s3  }
0x9d: {  	[timem:s7], [sflag:s22] =	dma.local [hbm:s5], s20  }
0x9e: {  	_ =	swait.ge [sflag:s22], s20  }
0x9f: {  	s4 =	ssub.s32 $0x0, s20;
	[sflag:s22] =	ssyncset.done $0x0  }
0xa0: {  	[sflag:s22] =	ssyncadd.s32 s4;
	_ =	sdelay $0x1  }
0xa1: {  	s23 =	simm.s32 $0x1B8B  }
0xa2: {  	_ =	swait.ge [sflag:s23], $0x1  }
0xa3: {  	[sflag:s23] =	ssyncset.done $0x0  }
0xa4: {  	s25 =	simm.s32 $0x1B8E;
	s24 =	sld [smem:$0x3FFE];
	[sflag:s23] =	ssyncadd.s32 $0xFFFFFFFF  }
0xa5: {  	s26 =	simm.s32 $execute0_lowered;
	[smem:$0x3FD2] =	sst s25  }
0xa6: {  	s5 =	sshll.u32 s26, $0x1;
	_ =	strace $0x80000049;
	[dreg:$0x1] =	wrdreg $0xFFFFFFFF  }
0xa7: {  	s28 =	simm.s32 $_size_execute0_lowered;
	s3 =	sadd.s32 s3, s5;
	[dreg:$0x0] =	wrdreg $0x0  }
0xa8: {  	s5 =	sshll.u32 s28, $0x1;
	[dreg:$0x2] =	wrdreg s3  }
0xa9: {  	[dreg:$0x3] =	wrdreg s5  }
0xaa: {  	[dreg:$0x4] =	wrdreg $0xC0  }
0xab: {  	_ =	task [dreg:s7], $0x5FFFF  }
0xac: {  	[dreg:$0x1] =	wrdreg $0xFFFFFFFF  }
0xad: {  	[dreg:$0x0] =	wrdreg $0x60  }
0xae: {  	[dreg:$0x2] =	wrdreg s24  }
0xaf: {  	[dreg:$0x3] =	wrdreg s2  }
0xb0: {  	[dreg:$0x4] =	wrdreg $0x9E200  }
0xb1: {  	[dreg:$0x5] =	wrdreg $0x9  }
0xb2: {  	_ =	task.clear_ibuf [dreg:s7], $0x6FFFF;
	_ =	strace $0x90000049  }
0xb3: {  	s29 =	simm.s32 $0x9;
	_ =	strace $0x8000004B  }
0xb4: {  	_ =	swait.ge [sflag:s29], $0x1  }
0xb5: {  	[sflag:s29] =	ssyncadd.s32 $0xFFFFFFFF  }
0xb6: {  	_ =	strace $0x9000004B  }
0xb7: {  	_ =	sfence  }
0xb8: {  	s30 =	sld [smem:$0x0];
	_ =	sdelay $0x2  }
0xb9: {  	s31 =	sshll.u32 s1, $0xD;
	s1 =	sshrl.u32 s1, $0x2  }
0xba: {  	s3 =	sand.u32 $0x4000, s31;
	s1 =	sadd.s32 s1, s30  }
0xbb: {  	s0 =	sor.u32 s3, s0;
	s1 =	sshll.u32 s1, $0x11  }
0xbc: {  	s0 =	sor.u32 s1, s0  }
0xbd: {  	s0 =	sadd.s32 $0x8F2B, s0  }
0xbe: {  	[sflag:s0] =	ssyncadd.remote.s32 $0x1  }
0xbf: {  	_ =	sfence.sel $0xFFFF  }
0xc0: {  	[dreg:$0x0] =	wrdreg $0xFFFFFFFF;
	(pc) =	sbr.abs _section_cstart, $3  }
0xc1: {  	[dreg:$0x1] =	wrdreg $0xFFFFFFFF  }
0xc2: {  	_ =	task.clear_ibuf [dreg:s7], $0x2FFFF;
	_ =	strace $0x9FFFFFFF  }
0xc3: {  	(tm) =	ssettm $0x7FFFFFFF  }
tec
execute0_lowered:
.L_overlay_start_1:
0x0: {  	(tag) =	ssettag $0x1  }
0x1: {  	s6 =	rddreg [dreg:$0x0]  }
0x2: {  	s14 =	rddreg [dreg:$0x1]  }
0x3: {  	s0 =	srdreg.scid;
	s2 =	rddreg [dreg:$0x2];
	s3 =	simm.s32 $0x0  }
0x4: {  	s18 =	simm.s32 $0x3;
	s19 =	simm.s32 $0x2710;
	s20 =	simm.s32 $0x50  }
0x5: {  	s21 =	simm.s32 $0x7620;
	s22 =	simm.s32 $0x1;
	s23 =	simm.s32 $0x2  }
0x6: {  	s24 =	simm.s32 $0x4DD0;
	s5 =	sand.u32 $0x1, s0;
	s0 =	stileid.u32  }
0x7: {  	[smem:$0x7FF] =	sst s3;
	s4 =	sadd.s32 $0xB600, s6;
	s7 =	smul.u32 $0x2800, s0  }
0x8: {  	s1 =	sshll.u32 s5, $0x4;
	s8 =	smul.u32 $0x50000, s0;
	s10 =	ssub.s32 $0x2, s5  }
0x9: {  	s9 =	smul.u32 $0x28000, s5;
	s1 =	sor.u32 s0, s1;
	s31 =	sshrl.u32 s10, $0x1  }
0xa: {  	s15 =	smul.u32 $0x4E2, s1;
	s1 =	rddreg [dreg:$0x3];
	_ =	strace $0x8000004A  }
0xb: {  	s30 =	sshrl.u32 s8, $0x2;
	s7 =	sadd.s32 s7, s9;
	s17 =	ssub.s32 s10, s31  }
0xc: {  	s5 =	sadd.s32 s30, s2;
	s16 =	sadd.s32 s7, s6;
	s13 =	sadd.s32 s15, s6  }
0xd: {  	s6 =	sadd.s32 $0x2800, s5;
	s7 =	sadd.s32 $0x5000, s5;
	s8 =	sadd.s32 $0x7800, s5  }
0xe: {  	s9 =	sadd.s32 $0xA000, s5;
	s10 =	sadd.s32 $0xC800, s5;
	s11 =	sadd.s32 $0xF000, s5  }
0xf: {  	s12 =	sadd.s32 $0x11800, s5;
	s14 =	sadd.s32 s14, s15;
	s15 =	sadd.s32 $0x32800, s16  }
0x10: {  	v0 =	vimm.f32 $0.0e+00;
	s16 =	smax.u32 s17, $0x1;
	s17 =	simm.s32 $0x4E20;
	s13 =	sadd.s32 $0x1800, s13  }
.LBB2_1:
0x11: {  	s25 =	simm.s32 $0x0;
	s26 =	simm.s32 $0x200  }
.LBB2_2:
0x12: {  	p0 =	sne.s32 s26, $0x9E00;
	[tilespmem:s25+$0x4E90] =	vst v0  }
0x13: {  	[tilespmem:s25+$0x4E20] =	vst v0  }
0x14: {  	[tilespmem:s25+$0x4E30] =	vst v0  }
.Ltmp0:
0x15: {  	[tilespmem:s25+$0x4E40] =	vst v0;
	(pc) =	sbr.rel @p0 .LBB2_2-.Ltmp0, $4  }
0x16: {  	[tilespmem:s25+$0x4E50] =	vst v0  }
0x17: {  	[tilespmem:s25+$0x4E60] =	vst v0  }
0x18: {  	[tilespmem:s25+$0x4E70] =	vst v0  }
0x19: {  	[tilespmem:s25+$0x4E80] =	vst v0;
	s25 =	sshra.s32 s26, $0x2;
	s26 =	sadd.s32 $0x200, s26  }
0x1a: {  	[tilespmem:s25+$0x4E90] =	vst v0  }
0x1b: {  	[tilespmem:s25+$0x4E20] =	vst v0  }
0x1c: {  	[tilespmem:s25+$0x4E30] =	vst v0  }
0x1d: {  	[tilespmem:s25+$0x4E40] =	vst v0  }
0x1e: {  	[tilespmem:s25+$0x4E50] =	vst v0  }
0x1f: {  	[tilespmem:s25+$0x4E60] =	vst v0  }
0x20: {  	[tilespmem:s25+$0x4E70] =	vst v0  }
0x21: {  	[tilespmem:s25+$0x4E80] =	vst v0  }
0x22: {  	[spmem:s5] =	stream.linear.scatter [tilespmem:s17], [sflag:$0x3], $0x2800, $0x38;
	[tilespmem:$0x1DE20] =	vst v63  }
0x23: {  	_ =	swait.ge [sflag:s18], $0x2800  }
0x24: {  	[sflag:s18] =	ssyncset.done $0x0  }
0x25: {  	[sflag:s18] =	ssyncadd.s32 $0xFFFFD800  }
0x26: {  	[spmem:s6] =	stream.linear.scatter [tilespmem:s17], [sflag:$0x3], $0x2800, $0x38;
	[tilespmem:$0x1DE20] =	vst v63  }
0x27: {  	_ =	swait.ge [sflag:s18], $0x2800  }
0x28: {  	[sflag:s18] =	ssyncset.done $0x0  }
0x29: {  	[sflag:s18] =	ssyncadd.s32 $0xFFFFD800  }
0x2a: {  	[spmem:s7] =	stream.linear.scatter [tilespmem:s17], [sflag:$0x3], $0x2800, $0x38;
	[tilespmem:$0x1DE20] =	vst v63  }
0x2b: {  	_ =	swait.ge [sflag:s18], $0x2800  }
0x2c: {  	[sflag:s18] =	ssyncset.done $0x0  }
0x2d: {  	[sflag:s18] =	ssyncadd.s32 $0xFFFFD800  }
0x2e: {  	[spmem:s8] =	stream.linear.scatter [tilespmem:s17], [sflag:$0x3], $0x2800, $0x38;
	[tilespmem:$0x1DE20] =	vst v63  }
0x2f: {  	_ =	swait.ge [sflag:s18], $0x2800  }
0x30: {  	[sflag:s18] =	ssyncset.done $0x0  }
0x31: {  	[sflag:s18] =	ssyncadd.s32 $0xFFFFD800  }
0x32: {  	[spmem:s9] =	stream.linear.scatter [tilespmem:s17], [sflag:$0x3], $0x2800, $0x38;
	[tilespmem:$0x1DE20] =	vst v63  }
0x33: {  	_ =	swait.ge [sflag:s18], $0x2800  }
0x34: {  	[sflag:s18] =	ssyncset.done $0x0  }
0x35: {  	[sflag:s18] =	ssyncadd.s32 $0xFFFFD800  }
0x36: {  	[spmem:s10] =	stream.linear.scatter [tilespmem:s17], [sflag:$0x3], $0x2800, $0x38;
	[tilespmem:$0x1DE20] =	vst v63  }
0x37: {  	_ =	swait.ge [sflag:s18], $0x2800  }
0x38: {  	[sflag:s18] =	ssyncset.done $0x0  }
0x39: {  	[sflag:s18] =	ssyncadd.s32 $0xFFFFD800  }
0x3a: {  	[spmem:s11] =	stream.linear.scatter [tilespmem:s17], [sflag:$0x3], $0x2800, $0x38;
	[tilespmem:$0x1DE20] =	vst v63  }
0x3b: {  	_ =	swait.ge [sflag:s18], $0x2800  }
0x3c: {  	[sflag:s18] =	ssyncset.done $0x0  }
0x3d: {  	[sflag:s18] =	ssyncadd.s32 $0xFFFFD800  }
0x3e: {  	[spmem:s12] =	stream.linear.scatter [tilespmem:s17], [sflag:$0x3], $0x2800, $0x38;
	[tilespmem:$0x1DE20] =	vst v63  }
0x3f: {  	_ =	swait.ge [sflag:s18], $0x2800  }
0x40: {  	[sflag:s18] =	ssyncset.done $0x0  }
0x41: {  	s26 =	simm.s32 $0x0;
	[sflag:s18] =	ssyncadd.s32 $0xFFFFD800  }
0x42: {  	[tilespmem:s26], [sflag:$0x3] =	stream.linear.gather [hbm4b:s13+s26], $0x2710, $0x38;
	[tilespmem:$0x1DE20] =	vst v63  }
0x43: {  	_ =	swait.ge [sflag:s18], $0x2710  }
0x44: {  	[sflag:s18] =	ssyncset.done $0x0  }
0x45: {  	[sflag:s18] =	ssyncadd.s32 $0xFFFFD8F0  }
0x46: {  	[tilespmem:s19], [sflag:$0x3] =	stream.linear.gather [hbm4b:s14+s26], $0x2710, $0x38;
	[tilespmem:$0x1DE20] =	vst v63  }
0x47: {  	_ =	swait.ge [sflag:s18], $0x2710  }
0x48: {  	[sflag:s18] =	ssyncset.done $0x0  }
0x49: {  	[sflag:s18] =	ssyncadd.s32 $0xFFFFD8F0  }
0x4a: {  	[bflag:$0x0] =	sbarrier.arrive $0xFFFF  }
0x4b: {  	[tilespmem:s17], [sflag:$0x1] =	stream.indirect.gather [hbm4b:s4+s20], $0x80, s26, s20, $0xb8;
	[tilespmem:$0x1DE20] =	vst v63  }
0x4c: {  	s28 =	simm.s32 $0x50  }
0x4d: {  	[tilespmem:s21], [sflag:$0x2] =	stream.indirect.gather [hbm4b:s4+s20], $0x80, s28, s20, $0xb8;
	[tilespmem:$0x1DE20] =	vst v63  }
0x4e: {  	_ =	swait.ge [sflag:s22], $0x2800  }
0x4f: {  	[sflag:s22] =	ssyncset.done $0x0  }
0x50: {  	s29 =	simm.s32 $0x2710;
	[sflag:s22] =	ssyncadd.s32 $0xFFFFD800  }
0x51: {  	[spmem:s2] =	stream.indirect.scatter.add.f32 [tilespmem:s17], [sflag:$0x3], $0x80, s29, s20, $0xb8;
	[tilespmem:$0x1DE20] =	vst v63  }
0x52: {  	_ =	swait.ge [sflag:s18], $0x2800  }
0x53: {  	[sflag:s18] =	ssyncset.done $0x0  }
0x54: {  	s30 =	simm.s32 $0xA0;
	[sflag:s18] =	ssyncadd.s32 $0xFFFFD800  }
0x55: {  	[tilespmem:s17], [sflag:$0x1] =	stream.indirect.gather [hbm4b:s4+s20], $0x80, s30, s20, $0xb8;
	[tilespmem:$0x1DE20] =	vst v63  }
0x56: {  	_ =	swait.ge [sflag:s23], $0x2800  }
0x57: {  	[sflag:s23] =	ssyncset.done $0x0  }
0x58: {  	s31 =	simm.s32 $0x2760;
	[sflag:s23] =	ssyncadd.s32 $0xFFFFD800  }
0x59: {  	[spmem:s2] =	stream.indirect.scatter.add.f32 [tilespmem:s21], [sflag:$0x3], $0x80, s31, s20, $0xb8;
	[tilespmem:$0x1DE20] =	vst v63  }
0x5a: {  	_ =	swait.ge [sflag:s18], $0x2800  }
0x5b: {  	s25 =	simm.s32 $0xA0;
	s26 =	simm.s32 $0x500;
	[sflag:s18] =	ssyncset.done $0x0  }
.LBB2_4:
0x5c: {  	s28 =	sadd.s32 $0x50, s25  }
0x5d: {  	[sflag:s18] =	ssyncadd.s32 $0xFFFFD800;
	s29 =	smov.u32 s26;
	s30 =	sadd.s32 $0x280, s26  }
0x5e: {  	[tilespmem:s21], [sflag:$0x2] =	stream.indirect.gather [hbm4b:s4+s20], $0x80, s28, s20, $0xb8;
	[tilespmem:$0x1DE20] =	vst v63  }
0x5f: {  	p0 =	sne.s32 s26, $0x9880;
	_ =	swait.ge [sflag:s22], $0x2800  }
0x60: {  	[sflag:s22] =	ssyncset.done $0x0  }
0x61: {  	s26 =	sadd.s32 $0x2710, s25;
	[sflag:s22] =	ssyncadd.s32 $0xFFFFD800  }
0x62: {  	[spmem:s2] =	stream.indirect.scatter.add.f32 [tilespmem:s17], [sflag:$0x3], $0x80, s26, s20, $0xb8;
	[tilespmem:$0x1DE20] =	vst v63  }
0x63: {  	_ =	swait.ge [sflag:s18], $0x2800  }
0x64: {  	[sflag:s18] =	ssyncset.done $0x0  }
0x65: {  	s26 =	sadd.s32 $0xA0, s25;
	[sflag:s18] =	ssyncadd.s32 $0xFFFFD800  }
0x66: {  	[tilespmem:s17], [sflag:$0x1] =	stream.indirect.gather [hbm4b:s4+s20], $0x80, s26, s20, $0xb8;
	[tilespmem:$0x1DE20] =	vst v63  }
0x67: {  	_ =	swait.ge [sflag:s23], $0x2800  }
.Ltmp1:
0x68: {  	[sflag:s23] =	ssyncset.done $0x0;
	(pc) =	sbr.rel @p0 .LBB2_4-.Ltmp1, $4  }
0x69: {  	s25 =	sadd.s32 $0x2760, s25;
	[sflag:s23] =	ssyncadd.s32 $0xFFFFD800  }
0x6a: {  	[spmem:s2] =	stream.indirect.scatter.add.f32 [tilespmem:s21], [sflag:$0x3], $0x80, s25, s20, $0xb8;
	[tilespmem:$0x1DE20] =	vst v63  }
0x6b: {  	_ =	swait.ge [sflag:s18], $0x2800  }
0x6c: {  	s26 =	smov.u32 s30;
	s25 =	sshra.s32 s29, $0x2;
	[sflag:s18] =	ssyncset.done $0x0  }
0x6d: {  	s26 =	sadd.s32 $0x50, s25;
	[sflag:s18] =	ssyncadd.s32 $0xFFFFD800  }
0x6e: {  	[tilespmem:s21], [sflag:$0x2] =	stream.indirect.gather [hbm4b:s4+s20], $0x80, s26, s20, $0xb8;
	[tilespmem:$0x1DE20] =	vst v63  }
0x6f: {  	_ =	swait.ge [sflag:s22], $0x2800  }
0x70: {  	[sflag:s22] =	ssyncset.done $0x0  }
0x71: {  	s31 =	sadd.s32 $0x2710, s25;
	[sflag:s22] =	ssyncadd.s32 $0xFFFFD800  }
0x72: {  	[spmem:s2] =	stream.indirect.scatter.add.f32 [tilespmem:s17], [sflag:$0x3], $0x80, s31, s20, $0xb8;
	[tilespmem:$0x1DE20] =	vst v63  }
0x73: {  	_ =	swait.ge [sflag:s18], $0x2800  }
0x74: {  	[sflag:s18] =	ssyncset.done $0x0  }
0x75: {  	s28 =	sadd.s32 $0xA0, s25;
	[sflag:s18] =	ssyncadd.s32 $0xFFFFD800  }
0x76: {  	[tilespmem:s17], [sflag:$0x1] =	stream.indirect.gather [hbm4b:s4+s20], $0x80, s28, s20, $0xb8;
	[tilespmem:$0x1DE20] =	vst v63  }
0x77: {  	_ =	swait.ge [sflag:s23], $0x2800  }
0x78: {  	[sflag:s23] =	ssyncset.done $0x0  }
0x79: {  	s29 =	sadd.s32 $0x2760, s25;
	[sflag:s23] =	ssyncadd.s32 $0xFFFFD800  }
0x7a: {  	[spmem:s2] =	stream.indirect.scatter.add.f32 [tilespmem:s21], [sflag:$0x3], $0x80, s29, s20, $0xb8;
	[tilespmem:$0x1DE20] =	vst v63  }
0x7b: {  	_ =	swait.ge [sflag:s18], $0x2800  }
0x7c: {  	[sflag:s18] =	ssyncset.done $0x0  }
0x7d: {  	[sflag:s18] =	ssyncadd.s32 $0xFFFFD800  }
0x7e: {  	_ =	swait.ge [sflag:s22], $0x2800  }
0x7f: {  	[sflag:s22] =	ssyncset.done $0x0  }
0x80: {  	[sflag:s22] =	ssyncadd.s32 $0xFFFFD800  }
0x81: {  	[spmem:s2] =	stream.indirect.scatter.add.f32 [tilespmem:s17], [sflag:$0x3], $0x80, s24, s20, $0xb8;
	[tilespmem:$0x1DE20] =	vst v63  }
0x82: {  	_ =	swait.ge [sflag:s18], $0x2800  }
0x83: {  	s30 =	sshll.u32 s0, $0x6;
	s3 =	sadd.s32 $0x1, s3;
	[sflag:s18] =	ssyncset.done $0x0  }
0x84: {  	s25 =	sor.u32 $0x1C03, s30;
	p0 =	sne.s32 s3, s16;
	[sflag:s18] =	ssyncadd.s32 $0xFFFFD800  }
.Ltmp2:
0x85: {  	s31 =	sshrl.u32 s5, $0x3;
	[bflag:$0x0] =	sbarrier.arrive $0xFFFF;
	(pc) =	sbr.rel @p0 .LBB2_1-.Ltmp2, $4  }
0x86: {  	[hbm:s15], [sflag:s25] =	dma.local [spmem:s31], $0x2800  }
0x87: {  	_ =	swait.ge [sflag:s18], $0x2800  }
0x88: {  	[sflag:s18] =	ssyncset.done $0x0  }
0x89: {  	[sflag:s18] =	ssyncadd.s32 $0xFFFFD800  }
0x8a: {  	_ =	sfence.sel $0x180000  }
0x8b: {  	[bflag:$0x0] =	sbarrier.arrive $0xFFFF  }
0x8c: {  	p0 =	sne.s32 s0, $0x0;
	_ =	strace $0x9000004A  }
0x8d: {  	s0 =	sadd.s32 @!p0 $0x100000, s1;
	[bflag:$0x2] =	sbarrier.arrive $0xFFFF  }
0x8e: {  	[sflag:s0] =	ssyncadd.tile.s32 @!p0 $0x1;
	_ =	shalt  }
.Lfunc_end2:
_tile_overlayer_lowered:
.L_overlay_start_2:
0x8f: {  	(tag) =	ssettag $0x2  }
0x90: {  	s0 =	rddreg [dreg:$0x0];
	s2 =	stileid.u32  }
0x91: {  	s1 =	rddreg [dreg:$0x1];
	p0 =	sne.s32 s2, $0x0  }
0x92: {  	s3 =	rddreg [dreg:$0x2];
	[bflag:$0x3] =	sbarrier.arrive $0xFFFF;
	s2 =	simm.s32 @!p0 $0x1C03  }
0x93: {  	[timem:s3], [sflag:s2] =	dma.local @!p0 [hbm:s0], s1  }
0x94: {  	s0 =	simm.s32 @!p0 $0x3  }
0x95: {  	_ =	swait.ge @!p0 [sflag:s0], s1  }
0x96: {  	s1 =	ssub.s32 @!p0 $0x0, s1;
	[sflag:s0] =	ssyncset.done @!p0 $0x0  }
0x97: {  	[sflag:s0] =	ssyncadd.s32 @!p0 s1  }
0x98: {  	[bflag:$0x3] =	sbarrier.arrive $0xFFFF  }
0x99: {  	_ =	shalt  }

// kernel: kernel.14.cloned.1.call-start
scs
__scs_entry_jumppad:
0x0: {  	(pc) =	sbr.rel $0x88, $3  }
0x1: {  	(tag) =	ssettag $0x0;
	lr =	simm.s32 $0x1  }
0x2: {  	[smem:$0x3F9B] =	sst lr;
	_ =	strace $0xD0000000  }
0x3: {  	_ = 	snop  }
0x4: {  	_ = 	snop  }
0x5: {  	_ = 	snop  }
0x6: {  	_ = 	snop  }
0x7: {  	_ = 	snop  }
__scs_overlays_trampoline_lowered:
0x8: {  	[smem:$0x3FAA] =	sst s0  }
0x9: {  	[smem:$0x3FAB] =	sst s1  }
0xa: {  	[smem:$0x3FAC] =	sst s2  }
0xb: {  	[smem:$0x3FAD] =	sst s3  }
0xc: {  	[smem:$0x3FAE] =	sst s4  }
0xd: {  	[smem:$0x3FAF] =	sst s5  }
0xe: {  	[smem:$0x3FB0] =	sst s6  }
0xf: {  	[smem:$0x3FB1] =	sst s7  }
0x10: {  	[smem:$0x3FB2] =	sst s8  }
0x11: {  	[smem:$0x3FB3] =	sst s9;
	s0 =	simm.s32 @!p0 $0x0  }
0x12: {  	s1 =	sld [smem:$0x3F99];
	s0 =	simm.s32 @p0 $0x1  }
0x13: {  	[smem:$0x3FB4] =	sst s0;
	s0 =	simm.s32 @!p1 $0x0  }
0x14: {  	s2 =	sld [smem:$0x3F98];
	s0 =	simm.s32 @p1 $0x1  }
0x15: {  	[smem:$0x3FB5] =	sst s0;
	s0 =	simm.s32 @!p2 $0x0  }
0x16: {  	s3 =	sld [smem:$0x3FDB];
	s0 =	simm.s32 @p2 $0x1  }
0x17: {  	s4 =	simm.s32 $0x1BF5;
	[smem:$0x3FB7] =	sst s0  }
0x18: {  	s0 =	sld [smem:$0x3F9A];
	_ =	swait.ge [sflag:s4], $0x0  }
0x19: {  	s7 =	sld [smem:$0x3F9B]  }
0x1a: {  	s8 =	sadd.s32 $0xFFFFE003, lr  }
0x1b: {  	s9 =	sadd.s32 $0xFFFFFEF7, lr;
	s5 =	simm.s32 $0xFFFFFFFF;
	p2 =	slt.u32 s8, $0xFFFFF086  }
0x1c: {  	p1 =	slt.u32 s9, $0xF7A;
	s5 =	simm.s32 @!p2 $0x0  }
0x1d: {  	s5 =	simm.s32 @p1 $0x1;
	p0 =	seq.s32 s7, s2  }
0x1e: {  	s7 =	smul.u32 @!p0 $0xF7A, s2;
	p2 =	seq.s32 @!p0 s5, $0x0  }
0x1f: {  	s9 =	smul.u32 $0xF7A, s1;
	s8 =	simm.s32 @!p0 $0x1BF5;
	p2 =	por !p2, p0  }
0x20: {  	[sflag:s8] =	ssyncset.s32 @!p0 $0xFFFFF086;
	s6 =	sadd.s32 @!p0 s3, s7;
	s7 =	simm.s32 @!p0 $0x108  }
0x21: {  	s3 =	sadd.s32 s3, s9;
	s6 =	sadd.s32 @!p0 $0x88, s6;
	s7 =	simm.s32 @p2 $0x1082  }
0x22: {  	[simem:s7], [sflag:s8] =	dma.local @!p0 [hbm:s6], $0xF7A  }
0x23: {  	s9 =	sor.u32 $0xD0000000, s2;
	s6 =	simm.s32 $0x108;
	_ =	swait.ge @!p0 [sflag:s8], $0x0  }
0x24: {  	s3 =	sadd.s32 $0x88, s3;
	s6 =	simm.s32 @!p1 $0x1082;
	[sflag:s4] =	ssyncset.s32 $0xFFFFF086  }
0x25: {  	[simem:s6], [sflag:s4] =	dma.local [hbm:s3], $0xF7A  }
0x26: {  	[smem:$0x3F9B] =	sst s1;
	(tag) =	ssettag s2;
	_ =	strace s9  }
0x27: {  	s1 =	sld [smem:$0x3FAB]  }
0x28: {  	s2 =	sld [smem:$0x3FAC]  }
0x29: {  	s4 =	sld [smem:$0x3FAE]  }
0x2a: {  	p0 =	seq.s32 s5, $0x0;
	s5 =	sld [smem:$0x3FAF]  }
0x2b: {  	s6 =	sld [smem:$0x3FB0]  }
0x2c: {  	s7 =	sld [smem:$0x3FB1]  }
0x2d: {  	s3 =	simm.s32 $0x108;
	s8 =	sld [smem:$0x3FB2]  }
0x2e: {  	s3 =	simm.s32 @!p0 $0x1082;
	s9 =	sld [smem:$0x3FB3]  }
0x2f: {  	lr =	sadd.s32 s0, s3;
	s0 =	sld [smem:$0x3FAA]  }
0x30: {  	s3 =	sld [smem:$0x3FAD]  }
0x31: {  	[smem:$0x3FB6] =	sst s10  }
0x32: {  	s10 =	sld [smem:$0x3FB4];
	_ =	sdelay $0x3  }
0x33: {  	p0 =	seq.s32 s10, $0x1;
	s10 =	sld [smem:$0x3FB6];
	_ =	sdelay $0x3  }
0x34: {  	[smem:$0x3FB6] =	sst s10  }
0x35: {  	s10 =	sld [smem:$0x3FB5];
	_ =	sdelay $0x3  }
0x36: {  	p1 =	seq.s32 s10, $0x1;
	s10 =	sld [smem:$0x3FB6];
	_ =	sdelay $0x3  }
0x37: {  	[smem:$0x3FB6] =	sst s10  }
0x38: {  	s10 =	sld [smem:$0x3FB7]  }
0x39: {  	_ = 	snop;
	(pc) =	sbr.ind lr, $3  }
0x3a: {  	_ = 	snop  }
0x3b: {  	_ = 	snop  }
0x3c: {  	p2 =	seq.s32 s10, $0x1;
	s10 =	sld [smem:$0x3FB6]  }
0x3d: {  	_ =	shalt  }
0x3e: {  	_ =	shalt  }
0x3f: {  	_ =	shalt  }
0x40: {  	_ =	shalt  }
0x41: {  	_ =	shalt  }
0x42: {  	_ =	shalt  }
0x43: {  	_ =	shalt  }
0x44: {  	_ =	shalt  }
0x45: {  	_ =	shalt  }
0x46: {  	_ =	shalt  }
0x47: {  	_ =	shalt  }
0x48: {  	_ =	shalt  }
0x49: {  	_ =	shalt  }
0x4a: {  	_ =	shalt  }
0x4b: {  	_ =	shalt  }
0x4c: {  	_ =	shalt  }
0x4d: {  	_ =	shalt  }
0x4e: {  	_ =	shalt  }
0x4f: {  	_ =	shalt  }
0x50: {  	_ =	shalt  }
0x51: {  	_ =	shalt  }
0x52: {  	_ =	shalt  }
0x53: {  	_ =	shalt  }
0x54: {  	_ =	shalt  }
0x55: {  	_ =	shalt  }
0x56: {  	_ =	shalt  }
0x57: {  	_ =	shalt  }
0x58: {  	_ =	shalt  }
0x59: {  	_ =	shalt  }
0x5a: {  	_ =	shalt  }
0x5b: {  	_ =	shalt  }
0x5c: {  	_ =	shalt  }
0x5d: {  	_ =	shalt  }
0x5e: {  	_ =	shalt  }
0x5f: {  	_ =	shalt  }
0x60: {  	_ =	shalt  }
0x61: {  	_ =	shalt  }
0x62: {  	_ =	shalt  }
0x63: {  	_ =	shalt  }
0x64: {  	_ =	shalt  }
0x65: {  	_ =	shalt  }
0x66: {  	_ =	shalt  }
0x67: {  	_ =	shalt  }
0x68: {  	_ =	shalt  }
0x69: {  	_ =	shalt  }
0x6a: {  	_ =	shalt  }
0x6b: {  	_ =	shalt  }
0x6c: {  	_ =	shalt  }
0x6d: {  	_ =	shalt  }
0x6e: {  	_ =	shalt  }
0x6f: {  	_ =	shalt  }
0x70: {  	_ =	shalt  }
0x71: {  	_ =	shalt  }
0x72: {  	_ =	shalt  }
0x73: {  	_ =	shalt  }
0x74: {  	_ =	shalt  }
0x75: {  	_ =	shalt  }
0x76: {  	_ =	shalt  }
0x77: {  	_ =	shalt  }
0x78: {  	_ =	shalt  }
0x79: {  	_ =	shalt  }
0x7a: {  	_ =	shalt  }
0x7b: {  	_ =	shalt  }
0x7c: {  	_ =	shalt  }
0x7d: {  	_ =	shalt  }
0x7e: {  	_ =	shalt  }
0x7f: {  	_ =	shalt  }
0x80: {  	_ =	shalt  }
0x81: {  	_ =	shalt  }
0x82: {  	_ =	shalt  }
0x83: {  	_ =	shalt  }
0x84: {  	_ =	shalt  }
0x85: {  	_ =	shalt  }
0x86: {  	_ =	shalt  }
0x87: {  	_ =	shalt  }
.Lfunc_end0:
.L_simem_size_0:
called_computation.2_lowered:
.L_overlay_start_0:
0x88: {  	s2 =	sld [smem:$0x3FD9]  }
0x89: {  	s3 =	sld [smem:$0x3FFE];
	_ =	sdelay $0x1  }
0x8a: {  	s1 =	srdreg.scid  }
0x8b: {  	s0 =	sand.u32 $0x1, s1  }
0x8c: {  	s17 =	sshll.u32 s0, $0xA;
	s2 =	sadd.s32 s3, s2  }
0x8d: {  	s2 =	sadd.s32 s2, s17  }
0x8e: {  	[smem:$0x3FC2] =	sst s2  }
0x8f: {  	_ = 	snop  }
0x90: {  	s2 =	sld [smem:$0x3FD0];
	(tm) =	ssettm $0x1  }
0x91: {  	s18 =	sld [smem:$0x3FFB];
	_ =	sdelay $0x3  }
0x92: {  	_ =	strace s18  }
0x93: {  	s3 =	sld [smem:$0x3FFC];
	_ =	sdelay $0x3  }
0x94: {  	_ =	strace s3  }
0x95: {  	s3 =	sld [smem:$0x3FFD];
	_ =	sdelay $0x3  }
0x96: {  	_ =	strace s3  }
0x97: {  	_ =	strace $0x8FFFFFFF  }
0x98: {  	s19 =	sld [smem:$0x3FDB];
	_ =	sdelay $0x1  }
0x99: {  	s4 =	simm.s32 $_scs_section_size  }
0x9a: {  	s5 =	simm.s32 $_size__tile_overlayer_lowered;
	s6 =	simm.s32 $_tile_overlayer_lowered  }
0x9b: {  	s22 =	simm.s32 $0x1BFF;
	s21 =	sshll.u32 s6, $0x1;
	s3 =	sadd.s32 s4, s19  }
0x9c: {  	s7 =	simm.s32 $0x0;
	s20 =	sshll.u32 s5, $0x1;
	s5 =	sadd.s32 s21, s3  }
0x9d: {  	[timem:s7], [sflag:s22] =	dma.local [hbm:s5], s20  }
0x9e: {  	_ =	swait.ge [sflag:s22], s20  }
0x9f: {  	s4 =	ssub.s32 $0x0, s20;
	[sflag:s22] =	ssyncset.done $0x0  }
0xa0: {  	[sflag:s22] =	ssyncadd.s32 s4;
	_ =	sdelay $0x1  }
0xa1: {  	s23 =	simm.s32 $0x1B8B  }
0xa2: {  	_ =	swait.ge [sflag:s23], $0x1  }
0xa3: {  	[sflag:s23] =	ssyncset.done $0x0  }
0xa4: {  	s25 =	simm.s32 $0x1B8E;
	s24 =	sld [smem:$0x3FFE];
	[sflag:s23] =	ssyncadd.s32 $0xFFFFFFFF  }
0xa5: {  	s26 =	simm.s32 $execute0_lowered;
	[smem:$0x3FD2] =	sst s25  }
0xa6: {  	s5 =	sshll.u32 s26, $0x1;
	_ =	strace $0x8000004C;
	[dreg:$0x1] =	wrdreg $0xFFFFFFFF  }
0xa7: {  	s28 =	simm.s32 $_size_execute0_lowered;
	s3 =	sadd.s32 s3, s5;
	[dreg:$0x0] =	wrdreg $0x0  }
0xa8: {  	s5 =	sshll.u32 s28, $0x1;
	[dreg:$0x2] =	wrdreg s3  }
0xa9: {  	[dreg:$0x3] =	wrdreg s5  }
0xaa: {  	[dreg:$0x4] =	wrdreg $0xC0  }
0xab: {  	_ =	task [dreg:s7], $0x5FFFF  }
0xac: {  	[dreg:$0x1] =	wrdreg $0xFFFFFFFF  }
0xad: {  	[dreg:$0x0] =	wrdreg $0x60  }
0xae: {  	[dreg:$0x2] =	wrdreg s24  }
0xaf: {  	[dreg:$0x3] =	wrdreg s2  }
0xb0: {  	[dreg:$0x4] =	wrdreg $0xE4200  }
0xb1: {  	[dreg:$0x5] =	wrdreg $0x9  }
0xb2: {  	_ =	task.clear_ibuf [dreg:s7], $0x6FFFF;
	_ =	strace $0x9000004C  }
0xb3: {  	s29 =	simm.s32 $0x9;
	_ =	strace $0x8000004E  }
0xb4: {  	_ =	swait.ge [sflag:s29], $0x1  }
0xb5: {  	[sflag:s29] =	ssyncadd.s32 $0xFFFFFFFF  }
0xb6: {  	_ =	strace $0x9000004E  }
0xb7: {  	_ =	sfence  }
0xb8: {  	s30 =	sld [smem:$0x0];
	_ =	sdelay $0x2  }
0xb9: {  	s31 =	sshll.u32 s1, $0xD;
	s1 =	sshrl.u32 s1, $0x2  }
0xba: {  	s3 =	sand.u32 $0x4000, s31;
	s1 =	sadd.s32 s1, s30  }
0xbb: {  	s0 =	sor.u32 s3, s0;
	s1 =	sshll.u32 s1, $0x11  }
0xbc: {  	s0 =	sor.u32 s1, s0  }
0xbd: {  	s0 =	sadd.s32 $0x8F2B, s0  }
0xbe: {  	[sflag:s0] =	ssyncadd.remote.s32 $0x1  }
0xbf: {  	_ =	sfence.sel $0xFFFF  }
0xc0: {  	[dreg:$0x0] =	wrdreg $0xFFFFFFFF;
	(pc) =	sbr.abs _section_cstart, $3  }
0xc1: {  	[dreg:$0x1] =	wrdreg $0xFFFFFFFF  }
0xc2: {  	_ =	task.clear_ibuf [dreg:s7], $0x2FFFF;
	_ =	strace $0x9FFFFFFF  }
0xc3: {  	(tm) =	ssettm $0x7FFFFFFF  }
tec
execute0_lowered:
.L_overlay_start_1:
0x0: {  	(tag) =	ssettag $0x1  }
0x1: {  	s6 =	rddreg [dreg:$0x0]  }
0x2: {  	s8 =	rddreg [dreg:$0x1]  }
0x3: {  	s0 =	srdreg.scid;
	s2 =	rddreg [dreg:$0x2];
	s3 =	simm.s32 $0x0  }
0x4: {  	s14 =	simm.s32 $0x190;
	s15 =	simm.s32 $0x9920;
	s16 =	simm.s32 $0x1  }
0x5: {  	s17 =	simm.s32 $0x2;
	s5 =	sand.u32 $0x1, s0;
	s0 =	stileid.u32  }
0x6: {  	s18 =	simm.s32 $0x4C90;
	[smem:$0x7FF] =	sst s3;
	s7 =	smul.u32 $0xF00, s0  }
0x7: {  	s4 =	sadd.s32 $0xB600, s6;
	s1 =	sshll.u32 s5, $0x4;
	s10 =	smul.u32 $0x1E000, s0  }
0x8: {  	s11 =	smul.u32 $0xF000, s5;
	s13 =	ssub.s32 $0x2, s5;
	s19 =	sshll.u32 s0, $0x6  }
0x9: {  	s1 =	sor.u32 s0, s1;
	s31 =	sshrl.u32 s13, $0x1;
	s19 =	sor.u32 $0x1C03, s19  }
0xa: {  	s9 =	smul.u32 $0x4E2, s1;
	s1 =	rddreg [dreg:$0x3];
	_ =	strace $0x8000004D  }
0xb: {  	s30 =	sshrl.u32 s10, $0x2;
	s7 =	sadd.s32 s7, s11;
	s10 =	ssub.s32 s13, s31  }
0xc: {  	s13 =	simm.s32 $0x2710;
	s5 =	sadd.s32 s30, s2;
	s11 =	sadd.s32 s7, s6  }
0xd: {  	s10 =	smax.u32 s10, $0x1;
	s12 =	sadd.s32 s9, s6;
	s6 =	sadd.s32 $0x4B00, s5  }
0xe: {  	s8 =	sadd.s32 s8, s9;
	s9 =	sadd.s32 $0x1A200, s11;
	s11 =	simm.s32 $0x4E20  }
0xf: {  	v0 =	vimm.f32 $0.0e+00;
	s20 =	sshrl.u32 s5, $0x3;
	s7 =	sadd.s32 $0x1800, s12;
	s12 =	simm.s32 $0x3  }
.LBB2_1:
0x10: {  	s21 =	simm.s32 $0xC0;
	s22 =	simm.s32 $0x0  }
.LBB2_2:
0x11: {  	p0 =	sne.s32 s21, $0x12B40;
	[tilespmem:s22+$0x4E40] =	vst v0;
	s23 =	smov.u32 s21;
	s21 =	sadd.s32 $0xC0, s21  }
.Ltmp0:
0x12: {  	[tilespmem:s22+$0x4E20] =	vst v0;
	(pc) =	sbr.rel @p0 .LBB2_2-.Ltmp0, $2  }
0x13: {  	[tilespmem:s22+$0x4E30] =	vst v0;
	_ =	sdelay $0x2  }
0x14: {  	s22 =	sshra.s32 s23, $0x2  }
0x15: {  	[tilespmem:s22+$0x4E40] =	vst v0  }
0x16: {  	[tilespmem:s22+$0x4E20] =	vst v0  }
0x17: {  	[tilespmem:s22+$0x4E30] =	vst v0  }
0x18: {  	[spmem:s5] =	stream.linear.scatter [tilespmem:s11], [sflag:$0x3], $0x4B00, $0x38;
	[tilespmem:$0x15C20] =	vst v63  }
0x19: {  	_ =	swait.ge [sflag:s12], $0x4B00  }
0x1a: {  	[sflag:s12] =	ssyncset.done $0x0  }
0x1b: {  	[sflag:s12] =	ssyncadd.s32 $0xFFFFB500  }
0x1c: {  	[spmem:s6] =	stream.linear.scatter [tilespmem:s11], [sflag:$0x3], $0x2D00, $0x38;
	[tilespmem:$0x15C20] =	vst v63  }
0x1d: {  	_ =	swait.ge [sflag:s12], $0x2D00  }
0x1e: {  	[sflag:s12] =	ssyncset.done $0x0  }
0x1f: {  	s21 =	simm.s32 $0x0;
	[sflag:s12] =	ssyncadd.s32 $0xFFFFD300  }
0x20: {  	[tilespmem:s21], [sflag:$0x3] =	stream.linear.gather [hbm4b:s7+s21], $0x2710, $0x38;
	[tilespmem:$0x15C20] =	vst v63  }
0x21: {  	_ =	swait.ge [sflag:s12], $0x2710  }
0x22: {  	[sflag:s12] =	ssyncset.done $0x0  }
0x23: {  	[sflag:s12] =	ssyncadd.s32 $0xFFFFD8F0  }
0x24: {  	[tilespmem:s13], [sflag:$0x3] =	stream.linear.gather [hbm4b:s8+s21], $0x2710, $0x38;
	[tilespmem:$0x15C20] =	vst v63  }
0x25: {  	_ =	swait.ge [sflag:s12], $0x2710  }
0x26: {  	[sflag:s12] =	ssyncset.done $0x0  }
0x27: {  	[sflag:s12] =	ssyncadd.s32 $0xFFFFD8F0  }
0x28: {  	[bflag:$0x0] =	sbarrier.arrive $0xFFFF  }
0x29: {  	[tilespmem:s11], [sflag:$0x1] =	stream.indirect.gather [hbm4b:s4+s14], $0x30, s21, s14, $0xb8;
	[tilespmem:$0x15C20] =	vst v63  }
0x2a: {  	s28 =	simm.s32 $0x190  }
0x2b: {  	[tilespmem:s15], [sflag:$0x2] =	stream.indirect.gather [hbm4b:s4+s14], $0x30, s28, s14, $0xb8;
	[tilespmem:$0x15C20] =	vst v63  }
0x2c: {  	_ =	swait.ge [sflag:s16], $0x4B00  }
0x2d: {  	[sflag:s16] =	ssyncset.done $0x0  }
0x2e: {  	s29 =	simm.s32 $0x2710;
	[sflag:s16] =	ssyncadd.s32 $0xFFFFB500  }
0x2f: {  	[spmem:s2] =	stream.indirect.scatter.add.f32 [tilespmem:s11], [sflag:$0x3], $0x30, s29, s14, $0xb8;
	[tilespmem:$0x15C20] =	vst v63  }
0x30: {  	_ =	swait.ge [sflag:s12], $0x4B00  }
0x31: {  	[sflag:s12] =	ssyncset.done $0x0  }
0x32: {  	s30 =	simm.s32 $0x320;
	[sflag:s12] =	ssyncadd.s32 $0xFFFFB500  }
0x33: {  	[tilespmem:s11], [sflag:$0x1] =	stream.indirect.gather [hbm4b:s4+s14], $0x30, s30, s14, $0xb8;
	[tilespmem:$0x15C20] =	vst v63  }
0x34: {  	_ =	swait.ge [sflag:s17], $0x4B00  }
0x35: {  	[sflag:s17] =	ssyncset.done $0x0  }
0x36: {  	s31 =	simm.s32 $0x28A0;
	[sflag:s17] =	ssyncadd.s32 $0xFFFFB500  }
0x37: {  	[spmem:s2] =	stream.indirect.scatter.add.f32 [tilespmem:s15], [sflag:$0x3], $0x30, s31, s14, $0xb8;
	[tilespmem:$0x15C20] =	vst v63  }
0x38: {  	_ =	swait.ge [sflag:s12], $0x4B00  }
0x39: {  	s22 =	simm.s32 $0x1900;
	s21 =	simm.s32 $0x320;
	[sflag:s12] =	ssyncset.done $0x0  }
.LBB2_4:
0x3a: {  	s23 =	sadd.s32 $0x190, s21  }
0x3b: {  	[sflag:s12] =	ssyncadd.s32 $0xFFFFB500;
	s24 =	smov.u32 s22;
	s25 =	sadd.s32 $0xC80, s22  }
0x3c: {  	[tilespmem:s15], [sflag:$0x2] =	stream.indirect.gather [hbm4b:s4+s14], $0x30, s23, s14, $0xb8;
	[tilespmem:$0x15C20] =	vst v63  }
0x3d: {  	p0 =	sne.s32 s22, $0x8980;
	_ =	swait.ge [sflag:s16], $0x4B00  }
0x3e: {  	[sflag:s16] =	ssyncset.done $0x0  }
0x3f: {  	s22 =	sadd.s32 $0x2710, s21;
	[sflag:s16] =	ssyncadd.s32 $0xFFFFB500  }
0x40: {  	[spmem:s2] =	stream.indirect.scatter.add.f32 [tilespmem:s11], [sflag:$0x3], $0x30, s22, s14, $0xb8;
	[tilespmem:$0x15C20] =	vst v63  }
0x41: {  	_ =	swait.ge [sflag:s12], $0x4B00  }
0x42: {  	[sflag:s12] =	ssyncset.done $0x0  }
0x43: {  	s22 =	sadd.s32 $0x320, s21;
	[sflag:s12] =	ssyncadd.s32 $0xFFFFB500  }
0x44: {  	[tilespmem:s11], [sflag:$0x1] =	stream.indirect.gather [hbm4b:s4+s14], $0x30, s22, s14, $0xb8;
	[tilespmem:$0x15C20] =	vst v63  }
0x45: {  	_ =	swait.ge [sflag:s17], $0x4B00  }
.Ltmp1:
0x46: {  	[sflag:s17] =	ssyncset.done $0x0;
	(pc) =	sbr.rel @p0 .LBB2_4-.Ltmp1, $4  }
0x47: {  	s21 =	sadd.s32 $0x28A0, s21;
	[sflag:s17] =	ssyncadd.s32 $0xFFFFB500  }
0x48: {  	[spmem:s2] =	stream.indirect.scatter.add.f32 [tilespmem:s15], [sflag:$0x3], $0x30, s21, s14, $0xb8;
	[tilespmem:$0x15C20] =	vst v63  }
0x49: {  	_ =	swait.ge [sflag:s12], $0x4B00  }
0x4a: {  	s22 =	smov.u32 s25;
	s21 =	sshra.s32 s24, $0x2;
	[sflag:s12] =	ssyncset.done $0x0  }
0x4b: {  	s22 =	sadd.s32 $0x190, s21;
	[sflag:s12] =	ssyncadd.s32 $0xFFFFB500  }
0x4c: {  	[tilespmem:s15], [sflag:$0x2] =	stream.indirect.gather [hbm4b:s4+s14], $0x30, s22, s14, $0xb8;
	[tilespmem:$0x15C20] =	vst v63  }
0x4d: {  	_ =	swait.ge [sflag:s16], $0x4B00  }
0x4e: {  	[sflag:s16] =	ssyncset.done $0x0  }
0x4f: {  	s29 =	sadd.s32 $0x2710, s21;
	[sflag:s16] =	ssyncadd.s32 $0xFFFFB500  }
0x50: {  	[spmem:s2] =	stream.indirect.scatter.add.f32 [tilespmem:s11], [sflag:$0x3], $0x30, s29, s14, $0xb8;
	[tilespmem:$0x15C20] =	vst v63  }
0x51: {  	_ =	swait.ge [sflag:s12], $0x4B00  }
0x52: {  	[sflag:s12] =	ssyncset.done $0x0  }
0x53: {  	s30 =	sadd.s32 $0x320, s21;
	[sflag:s12] =	ssyncadd.s32 $0xFFFFB500  }
0x54: {  	[tilespmem:s11], [sflag:$0x1] =	stream.indirect.gather [hbm4b:s4+s14], $0x30, s30, s14, $0xb8;
	[tilespmem:$0x15C20] =	vst v63  }
0x55: {  	_ =	swait.ge [sflag:s17], $0x4B00  }
0x56: {  	[sflag:s17] =	ssyncset.done $0x0  }
0x57: {  	s31 =	sadd.s32 $0x28A0, s21;
	[sflag:s17] =	ssyncadd.s32 $0xFFFFB500  }
0x58: {  	[spmem:s2] =	stream.indirect.scatter.add.f32 [tilespmem:s15], [sflag:$0x3], $0x30, s31, s14, $0xb8;
	[tilespmem:$0x15C20] =	vst v63  }
0x59: {  	_ =	swait.ge [sflag:s12], $0x4B00  }
0x5a: {  	[sflag:s12] =	ssyncset.done $0x0  }
0x5b: {  	[sflag:s12] =	ssyncadd.s32 $0xFFFFB500  }
0x5c: {  	_ =	swait.ge [sflag:s16], $0x4B00  }
0x5d: {  	[sflag:s16] =	ssyncset.done $0x0  }
0x5e: {  	[sflag:s16] =	ssyncadd.s32 $0xFFFFB500  }
0x5f: {  	[spmem:s2] =	stream.indirect.scatter.add.f32 [tilespmem:s11], [sflag:$0x3], $0x30, s18, s14, $0xb8;
	[tilespmem:$0x15C20] =	vst v63  }
0x60: {  	_ =	swait.ge [sflag:s12], $0x4B00  }
0x61: {  	s3 =	sadd.s32 $0x1, s3;
	[sflag:s12] =	ssyncset.done $0x0  }
0x62: {  	p0 =	sne.s32 s3, s10;
	[sflag:s12] =	ssyncadd.s32 $0xFFFFB500  }
.Ltmp2:
0x63: {  	[bflag:$0x0] =	sbarrier.arrive $0xFFFF;
	(pc) =	sbr.rel @p0 .LBB2_1-.Ltmp2, $4  }
0x64: {  	[hbm:s9], [sflag:s19] =	dma.local [spmem:s20], $0xF00  }
0x65: {  	_ =	swait.ge [sflag:s12], $0xF00  }
0x66: {  	[sflag:s12] =	ssyncset.done $0x0  }
0x67: {  	[sflag:s12] =	ssyncadd.s32 $0xFFFFF100  }
0x68: {  	_ =	sfence.sel $0x180000  }
0x69: {  	[bflag:$0x0] =	sbarrier.arrive $0xFFFF  }
0x6a: {  	p0 =	sne.s32 s0, $0x0;
	_ =	strace $0x9000004D  }
0x6b: {  	s0 =	sadd.s32 @!p0 $0x100000, s1;
	[bflag:$0x2] =	sbarrier.arrive $0xFFFF  }
0x6c: {  	[sflag:s0] =	ssyncadd.tile.s32 @!p0 $0x1;
	_ =	shalt  }
.Lfunc_end2:
_tile_overlayer_lowered:
.L_overlay_start_2:
0x6d: {  	(tag) =	ssettag $0x2  }
0x6e: {  	s0 =	rddreg [dreg:$0x0];
	s2 =	stileid.u32  }
0x6f: {  	s1 =	rddreg [dreg:$0x1];
	p0 =	sne.s32 s2, $0x0  }
0x70: {  	s3 =	rddreg [dreg:$0x2];
	[bflag:$0x3] =	sbarrier.arrive $0xFFFF;
	s2 =	simm.s32 @!p0 $0x1C03  }
0x71: {  	[timem:s3], [sflag:s2] =	dma.local @!p0 [hbm:s0], s1  }
0x72: {  	s0 =	simm.s32 @!p0 $0x3  }
0x73: {  	_ =	swait.ge @!p0 [sflag:s0], s1  }
0x74: {  	s1 =	ssub.s32 @!p0 $0x0, s1;
	[sflag:s0] =	ssyncset.done @!p0 $0x0  }
0x75: {  	[sflag:s0] =	ssyncadd.s32 @!p0 s1  }
0x76: {  	[bflag:$0x3] =	sbarrier.arrive $0xFFFF  }
0x77: {  	_ =	shalt  }

// kernel: kernel.8.cloned.1.call-start
scs
__scs_entry_jumppad:
0x0: {  	(pc) =	sbr.rel $0x88, $3  }
0x1: {  	(tag) =	ssettag $0x0;
	lr =	simm.s32 $0x1  }
0x2: {  	[smem:$0x3F9B] =	sst lr;
	_ =	strace $0xD0000000  }
0x3: {  	_ = 	snop  }
0x4: {  	_ = 	snop  }
0x5: {  	_ = 	snop  }
0x6: {  	_ = 	snop  }
0x7: {  	_ = 	snop  }
__scs_overlays_trampoline_lowered:
0x8: {  	[smem:$0x3FAA] =	sst s0  }
0x9: {  	[smem:$0x3FAB] =	sst s1  }
0xa: {  	[smem:$0x3FAC] =	sst s2  }
0xb: {  	[smem:$0x3FAD] =	sst s3  }
0xc: {  	[smem:$0x3FAE] =	sst s4  }
0xd: {  	[smem:$0x3FAF] =	sst s5  }
0xe: {  	[smem:$0x3FB0] =	sst s6  }
0xf: {  	[smem:$0x3FB1] =	sst s7  }
0x10: {  	[smem:$0x3FB2] =	sst s8  }
0x11: {  	[smem:$0x3FB3] =	sst s9;
	s0 =	simm.s32 @!p0 $0x0  }
0x12: {  	s1 =	sld [smem:$0x3F99];
	s0 =	simm.s32 @p0 $0x1  }
0x13: {  	[smem:$0x3FB4] =	sst s0;
	s0 =	simm.s32 @!p1 $0x0  }
0x14: {  	s2 =	sld [smem:$0x3F98];
	s0 =	simm.s32 @p1 $0x1  }
0x15: {  	[smem:$0x3FB5] =	sst s0;
	s0 =	simm.s32 @!p2 $0x0  }
0x16: {  	s3 =	sld [smem:$0x3FDB];
	s0 =	simm.s32 @p2 $0x1  }
0x17: {  	s4 =	simm.s32 $0x1BF5;
	[smem:$0x3FB7] =	sst s0  }
0x18: {  	s0 =	sld [smem:$0x3F9A];
	_ =	swait.ge [sflag:s4], $0x0  }
0x19: {  	s7 =	sld [smem:$0x3F9B]  }
0x1a: {  	s8 =	sadd.s32 $0xFFFFE003, lr  }
0x1b: {  	s9 =	sadd.s32 $0xFFFFFEF7, lr;
	s5 =	simm.s32 $0xFFFFFFFF;
	p2 =	slt.u32 s8, $0xFFFFF086  }
0x1c: {  	p1 =	slt.u32 s9, $0xF7A;
	s5 =	simm.s32 @!p2 $0x0  }
0x1d: {  	s5 =	simm.s32 @p1 $0x1;
	p0 =	seq.s32 s7, s2  }
0x1e: {  	s7 =	smul.u32 @!p0 $0xF7A, s2;
	p2 =	seq.s32 @!p0 s5, $0x0  }
0x1f: {  	s9 =	smul.u32 $0xF7A, s1;
	s8 =	simm.s32 @!p0 $0x1BF5;
	p2 =	por !p2, p0  }
0x20: {  	[sflag:s8] =	ssyncset.s32 @!p0 $0xFFFFF086;
	s6 =	sadd.s32 @!p0 s3, s7;
	s7 =	simm.s32 @!p0 $0x108  }
0x21: {  	s3 =	sadd.s32 s3, s9;
	s6 =	sadd.s32 @!p0 $0x88, s6;
	s7 =	simm.s32 @p2 $0x1082  }
0x22: {  	[simem:s7], [sflag:s8] =	dma.local @!p0 [hbm:s6], $0xF7A  }
0x23: {  	s9 =	sor.u32 $0xD0000000, s2;
	s6 =	simm.s32 $0x108;
	_ =	swait.ge @!p0 [sflag:s8], $0x0  }
0x24: {  	s3 =	sadd.s32 $0x88, s3;
	s6 =	simm.s32 @!p1 $0x1082;
	[sflag:s4] =	ssyncset.s32 $0xFFFFF086  }
0x25: {  	[simem:s6], [sflag:s4] =	dma.local [hbm:s3], $0xF7A  }
0x26: {  	[smem:$0x3F9B] =	sst s1;
	(tag) =	ssettag s2;
	_ =	strace s9  }
0x27: {  	s1 =	sld [smem:$0x3FAB]  }
0x28: {  	s2 =	sld [smem:$0x3FAC]  }
0x29: {  	s4 =	sld [smem:$0x3FAE]  }
0x2a: {  	p0 =	seq.s32 s5, $0x0;
	s5 =	sld [smem:$0x3FAF]  }
0x2b: {  	s6 =	sld [smem:$0x3FB0]  }
0x2c: {  	s7 =	sld [smem:$0x3FB1]  }
0x2d: {  	s3 =	simm.s32 $0x108;
	s8 =	sld [smem:$0x3FB2]  }
0x2e: {  	s3 =	simm.s32 @!p0 $0x1082;
	s9 =	sld [smem:$0x3FB3]  }
0x2f: {  	lr =	sadd.s32 s0, s3;
	s0 =	sld [smem:$0x3FAA]  }
0x30: {  	s3 =	sld [smem:$0x3FAD]  }
0x31: {  	[smem:$0x3FB6] =	sst s10  }
0x32: {  	s10 =	sld [smem:$0x3FB4];
	_ =	sdelay $0x3  }
0x33: {  	p0 =	seq.s32 s10, $0x1;
	s10 =	sld [smem:$0x3FB6];
	_ =	sdelay $0x3  }
0x34: {  	[smem:$0x3FB6] =	sst s10  }
0x35: {  	s10 =	sld [smem:$0x3FB5];
	_ =	sdelay $0x3  }
0x36: {  	p1 =	seq.s32 s10, $0x1;
	s10 =	sld [smem:$0x3FB6];
	_ =	sdelay $0x3  }
0x37: {  	[smem:$0x3FB6] =	sst s10  }
0x38: {  	s10 =	sld [smem:$0x3FB7]  }
0x39: {  	_ = 	snop;
	(pc) =	sbr.ind lr, $3  }
0x3a: {  	_ = 	snop  }
0x3b: {  	_ = 	snop  }
0x3c: {  	p2 =	seq.s32 s10, $0x1;
	s10 =	sld [smem:$0x3FB6]  }
0x3d: {  	_ =	shalt  }
0x3e: {  	_ =	shalt  }
0x3f: {  	_ =	shalt  }
0x40: {  	_ =	shalt  }
0x41: {  	_ =	shalt  }
0x42: {  	_ =	shalt  }
0x43: {  	_ =	shalt  }
0x44: {  	_ =	shalt  }
0x45: {  	_ =	shalt  }
0x46: {  	_ =	shalt  }
0x47: {  	_ =	shalt  }
0x48: {  	_ =	shalt  }
0x49: {  	_ =	shalt  }
0x4a: {  	_ =	shalt  }
0x4b: {  	_ =	shalt  }
0x4c: {  	_ =	shalt  }
0x4d: {  	_ =	shalt  }
0x4e: {  	_ =	shalt  }
0x4f: {  	_ =	shalt  }
0x50: {  	_ =	shalt  }
0x51: {  	_ =	shalt  }
0x52: {  	_ =	shalt  }
0x53: {  	_ =	shalt  }
0x54: {  	_ =	shalt  }
0x55: {  	_ =	shalt  }
0x56: {  	_ =	shalt  }
0x57: {  	_ =	shalt  }
0x58: {  	_ =	shalt  }
0x59: {  	_ =	shalt  }
0x5a: {  	_ =	shalt  }
0x5b: {  	_ =	shalt  }
0x5c: {  	_ =	shalt  }
0x5d: {  	_ =	shalt  }
0x5e: {  	_ =	shalt  }
0x5f: {  	_ =	shalt  }
0x60: {  	_ =	shalt  }
0x61: {  	_ =	shalt  }
0x62: {  	_ =	shalt  }
0x63: {  	_ =	shalt  }
0x64: {  	_ =	shalt  }
0x65: {  	_ =	shalt  }
0x66: {  	_ =	shalt  }
0x67: {  	_ =	shalt  }
0x68: {  	_ =	shalt  }
0x69: {  	_ =	shalt  }
0x6a: {  	_ =	shalt  }
0x6b: {  	_ =	shalt  }
0x6c: {  	_ =	shalt  }
0x6d: {  	_ =	shalt  }
0x6e: {  	_ =	shalt  }
0x6f: {  	_ =	shalt  }
0x70: {  	_ =	shalt  }
0x71: {  	_ =	shalt  }
0x72: {  	_ =	shalt  }
0x73: {  	_ =	shalt  }
0x74: {  	_ =	shalt  }
0x75: {  	_ =	shalt  }
0x76: {  	_ =	shalt  }
0x77: {  	_ =	shalt  }
0x78: {  	_ =	shalt  }
0x79: {  	_ =	shalt  }
0x7a: {  	_ =	shalt  }
0x7b: {  	_ =	shalt  }
0x7c: {  	_ =	shalt  }
0x7d: {  	_ =	shalt  }
0x7e: {  	_ =	shalt  }
0x7f: {  	_ =	shalt  }
0x80: {  	_ =	shalt  }
0x81: {  	_ =	shalt  }
0x82: {  	_ =	shalt  }
0x83: {  	_ =	shalt  }
0x84: {  	_ =	shalt  }
0x85: {  	_ =	shalt  }
0x86: {  	_ =	shalt  }
0x87: {  	_ =	shalt  }
.Lfunc_end0:
.L_simem_size_0:
called_computation_lowered:
.L_overlay_start_0:
0x88: {  	s2 =	sld [smem:$0x3FD9]  }
0x89: {  	s3 =	sld [smem:$0x3FFE];
	_ =	sdelay $0x1  }
0x8a: {  	s1 =	srdreg.scid  }
0x8b: {  	s0 =	sand.u32 $0x1, s1  }
0x8c: {  	s17 =	sshll.u32 s0, $0xA;
	s2 =	sadd.s32 s3, s2  }
0x8d: {  	s2 =	sadd.s32 s2, s17  }
0x8e: {  	[smem:$0x3FC2] =	sst s2  }
0x8f: {  	_ = 	snop  }
0x90: {  	s2 =	sld [smem:$0x3FD0];
	(tm) =	ssettm $0x1  }
0x91: {  	s18 =	sld [smem:$0x3FFB];
	_ =	sdelay $0x3  }
0x92: {  	_ =	strace s18  }
0x93: {  	s3 =	sld [smem:$0x3FFC];
	_ =	sdelay $0x3  }
0x94: {  	_ =	strace s3  }
0x95: {  	s3 =	sld [smem:$0x3FFD];
	_ =	sdelay $0x3  }
0x96: {  	_ =	strace s3  }
0x97: {  	_ =	strace $0x8FFFFFFF  }
0x98: {  	s19 =	sld [smem:$0x3FDB];
	_ =	sdelay $0x1  }
0x99: {  	s4 =	simm.s32 $_scs_section_size  }
0x9a: {  	s5 =	simm.s32 $_size__tile_overlayer_lowered;
	s6 =	simm.s32 $_tile_overlayer_lowered  }
0x9b: {  	s22 =	simm.s32 $0x1BFF;
	s21 =	sshll.u32 s6, $0x1;
	s3 =	sadd.s32 s4, s19  }
0x9c: {  	s7 =	simm.s32 $0x0;
	s20 =	sshll.u32 s5, $0x1;
	s5 =	sadd.s32 s21, s3  }
0x9d: {  	[timem:s7], [sflag:s22] =	dma.local [hbm:s5], s20  }
0x9e: {  	_ =	swait.ge [sflag:s22], s20  }
0x9f: {  	s4 =	ssub.s32 $0x0, s20;
	[sflag:s22] =	ssyncset.done $0x0  }
0xa0: {  	[sflag:s22] =	ssyncadd.s32 s4;
	_ =	sdelay $0x1  }
0xa1: {  	s23 =	simm.s32 $0x1B8B  }
0xa2: {  	_ =	swait.ge [sflag:s23], $0x1  }
0xa3: {  	[sflag:s23] =	ssyncset.done $0x0  }
0xa4: {  	s25 =	simm.s32 $0x1B8E;
	s24 =	sld [smem:$0x3FFE];
	[sflag:s23] =	ssyncadd.s32 $0xFFFFFFFF  }
0xa5: {  	s26 =	simm.s32 $execute0_lowered;
	[smem:$0x3FD2] =	sst s25  }
0xa6: {  	s5 =	sshll.u32 s26, $0x1;
	_ =	strace $0x80000046;
	[dreg:$0x1] =	wrdreg $0xFFFFFFFF  }
0xa7: {  	s28 =	simm.s32 $_size_execute0_lowered;
	s3 =	sadd.s32 s3, s5;
	[dreg:$0x0] =	wrdreg $0x0  }
0xa8: {  	s5 =	sshll.u32 s28, $0x1;
	[dreg:$0x2] =	wrdreg s3  }
0xa9: {  	[dreg:$0x3] =	wrdreg s5  }
0xaa: {  	[dreg:$0x4] =	wrdreg $0xC0  }
0xab: {  	_ =	task [dreg:s7], $0x5FFFF  }
0xac: {  	[dreg:$0x1] =	wrdreg $0xFFFFFFFF  }
0xad: {  	[dreg:$0x0] =	wrdreg $0x60  }
0xae: {  	[dreg:$0x2] =	wrdreg s24  }
0xaf: {  	[dreg:$0x3] =	wrdreg s2  }
0xb0: {  	[dreg:$0x4] =	wrdreg $0x50A00  }
0xb1: {  	[dreg:$0x5] =	wrdreg $0x53200  }
0xb2: {  	[dreg:$0x6] =	wrdreg $0x9  }
0xb3: {  	_ =	task.clear_ibuf [dreg:s7], $0x7FFFF;
	_ =	strace $0x90000046  }
0xb4: {  	s29 =	simm.s32 $0x9;
	_ =	strace $0x80000048  }
0xb5: {  	_ =	swait.ge [sflag:s29], $0x1  }
0xb6: {  	[sflag:s29] =	ssyncadd.s32 $0xFFFFFFFF  }
0xb7: {  	_ =	strace $0x90000048  }
0xb8: {  	_ =	sfence  }
0xb9: {  	s30 =	sld [smem:$0x0];
	_ =	sdelay $0x2  }
0xba: {  	s31 =	sshll.u32 s1, $0xD;
	s1 =	sshrl.u32 s1, $0x2  }
0xbb: {  	s3 =	sand.u32 $0x4000, s31;
	s1 =	sadd.s32 s1, s30  }
0xbc: {  	s0 =	sor.u32 s3, s0;
	s1 =	sshll.u32 s1, $0x11  }
0xbd: {  	s0 =	sor.u32 s1, s0  }
0xbe: {  	s0 =	sadd.s32 $0x8F2B, s0  }
0xbf: {  	[sflag:s0] =	ssyncadd.remote.s32 $0x1  }
0xc0: {  	_ =	sfence.sel $0xFFFF  }
0xc1: {  	[dreg:$0x0] =	wrdreg $0xFFFFFFFF;
	(pc) =	sbr.abs _section_cstart, $3  }
0xc2: {  	[dreg:$0x1] =	wrdreg $0xFFFFFFFF  }
0xc3: {  	_ =	task.clear_ibuf [dreg:s7], $0x2FFFF;
	_ =	strace $0x9FFFFFFF  }
0xc4: {  	(tm) =	ssettm $0x7FFFFFFF  }
0xc5: {  	_ =	shalt  }
tec
execute0_lowered:
.L_overlay_start_1:
0x0: {  	(tag) =	ssettag $0x1  }
0x1: {  	s5 =	rddreg [dreg:$0x0]  }
0x2: {  	s8 =	rddreg [dreg:$0x1]  }
0x3: {  	s2 =	rddreg [dreg:$0x2]  }
0x4: {  	s3 =	rddreg [dreg:$0x3];
	s4 =	srdreg.scid  }
0x5: {  	s1 =	stileid.u32;
	s0 =	rddreg [dreg:$0x4];
	s13 =	simm.s32 $0x1  }
0x6: {  	s14 =	simm.s32 $0x2710;
	s18 =	simm.s32 $0x0;
	s6 =	sand.u32 $0x1, s4  }
0x7: {  	s7 =	smul.u32 $0x280, s1;
	s4 =	simm.s32 $0x0;
	s15 =	sshll.u32 s1, $0x6  }
0x8: {  	s9 =	sshll.u32 s6, $0x4;
	s10 =	smul.u32 $0x2800, s6;
	[smem:$0x7FF] =	sst s4  }
0x9: {  	s6 =	ssub.s32 $0x2, s6;
	s15 =	sor.u32 $0x1C01, s15;
	s9 =	sor.u32 s1, s9  }
0xa: {  	_ =	strace $0x80000047;
	s11 =	sshrl.u32 s6, $0x1;
	s9 =	smul.u32 $0x4E2, s9  }
0xb: {  	s10 =	sadd.s32 s7, s10;
	s11 =	ssub.s32 s6, s11;
	s6 =	sadd.s32 s7, s3  }
0xc: {  	s10 =	sshrl.u32 s10, $0x3;
	s11 =	smax.u32 s11, $0x1;
	s17 =	sshrl.u32 s6, $0x3  }
0xd: {  	s12 =	sadd.s32 s9, s5;
	s10 =	sadd.s32 s10, s5;
	s5 =	sadd.s32 s7, s2  }
0xe: {  	s8 =	sadd.s32 s8, s9;
	s7 =	sadd.s32 $0x1800, s12;
	s9 =	sadd.s32 $0xB600, s10  }
0xf: {  	v0 =	vimm.f32 $1.000000000e+00;
	v1 =	vimm.f32 $0.0e+00;
	s10 =	sadd.s32 $0xC000, s10;
	s12 =	simm.s32 $0x4E20;
	s16 =	sshrl.u32 s5, $0x3  }
.LBB2_1:
0x10: {  	s19 =	simm.s32 $0x40;
	s20 =	simm.s32 $0x0  }
.LBB2_2:
0x11: {  	p0 =	sne.s32 s19, $0x9C00;
	[tilespmem:s20+$0x2710] =	vst v0;
	s20 =	smov.u32 s19;
	s19 =	sadd.s32 $0x40, s19  }
.Ltmp0:
0x12: {  	(pc) =	sbr.rel @p0 .LBB2_2-.Ltmp0, $2  }
0x13: {  	_ =	sdelay $0x2  }
0x14: {  	s20 =	sshra.s32 s20, $0x2  }
0x15: {  	[tilespmem:s20+$0x2710] =	vst v0  }
0x16: {  	[tilespmem:$0x4E20] =	vst v1  }
0x17: {  	[tilespmem:$0x4E30] =	vst v1  }
0x18: {  	[tilespmem:$0x4E40] =	vst v1  }
0x19: {  	[tilespmem:$0x4E50] =	vst v1  }
0x1a: {  	[tilespmem:$0x4E60] =	vst v1  }
0x1b: {  	[tilespmem:$0x4E70] =	vst v1  }
0x1c: {  	[tilespmem:$0x4E80] =	vst v1  }
0x1d: {  	[tilespmem:$0x4E90] =	vst v1  }
0x1e: {  	[tilespmem:$0x4EA0] =	vst v1  }
0x1f: {  	[tilespmem:$0x4EB0] =	vst v1  }
0x20: {  	[tilespmem:$0x4EC0] =	vst v1  }
0x21: {  	[tilespmem:$0x4ED0] =	vst v1  }
0x22: {  	[tilespmem:$0x4EE0] =	vst v1  }
0x23: {  	[tilespmem:$0x4EF0] =	vst v1  }
0x24: {  	[tilespmem:$0x4F00] =	vst v1  }
0x25: {  	[tilespmem:$0x4F10] =	vst v1  }
0x26: {  	[tilespmem:$0x4F20] =	vst v1  }
0x27: {  	[tilespmem:$0x4F30] =	vst v1  }
0x28: {  	[tilespmem:$0x4F40] =	vst v1  }
0x29: {  	[tilespmem:$0x4F50] =	vst v1  }
0x2a: {  	[tilespmem:$0x4F60] =	vst v1  }
0x2b: {  	[tilespmem:$0x4F70] =	vst v1  }
0x2c: {  	[tilespmem:$0x4F80] =	vst v1  }
0x2d: {  	[tilespmem:$0x4F90] =	vst v1  }
0x2e: {  	[tilespmem:$0x4FA0] =	vst v1  }
0x2f: {  	[tilespmem:$0x4FB0] =	vst v1  }
0x30: {  	[tilespmem:$0x4FC0] =	vst v1  }
0x31: {  	[tilespmem:$0x4FD0] =	vst v1  }
0x32: {  	[tilespmem:$0x4FE0] =	vst v1  }
0x33: {  	[tilespmem:$0x4FF0] =	vst v1  }
0x34: {  	[tilespmem:$0x5000] =	vst v1  }
0x35: {  	[tilespmem:$0x5010] =	vst v1  }
0x36: {  	[tilespmem:$0x5020] =	vst v1  }
0x37: {  	[tilespmem:$0x5030] =	vst v1  }
0x38: {  	[tilespmem:$0x5040] =	vst v1  }
0x39: {  	[tilespmem:$0x5050] =	vst v1  }
0x3a: {  	[tilespmem:$0x5060] =	vst v1  }
0x3b: {  	[tilespmem:$0x5070] =	vst v1  }
0x3c: {  	[tilespmem:$0x5080] =	vst v1  }
0x3d: {  	[tilespmem:$0x5090] =	vst v1  }
0x3e: {  	[spmem:s5] =	stream.linear.scatter [tilespmem:s12], [sflag:$0x1], $0x280, $0x38;
	[tilespmem:$0x55A0] =	vst v63  }
0x3f: {  	_ =	swait.ge [sflag:s13], $0x280  }
0x40: {  	[sflag:s13] =	ssyncset.done $0x0  }
0x41: {  	[sflag:s13] =	ssyncadd.s32 $0xFFFFFD80  }
0x42: {  	[spmem:s6] =	stream.linear.scatter [tilespmem:s12], [sflag:$0x1], $0x280, $0x38;
	[tilespmem:$0x55A0] =	vst v63  }
0x43: {  	_ =	swait.ge [sflag:s13], $0x280  }
0x44: {  	[sflag:s13] =	ssyncset.done $0x0  }
0x45: {  	[sflag:s13] =	ssyncadd.s32 $0xFFFFFD80  }
0x46: {  	[bflag:$0x0] =	sbarrier.arrive $0xFFFF  }
0x47: {  	[tilespmem:s4], [sflag:$0x1] =	stream.linear.gather [hbm4b:s7+s4], $0x2710, $0x38;
	[tilespmem:$0x55A0] =	vst v63  }
0x48: {  	_ =	swait.ge [sflag:s13], $0x2710  }
0x49: {  	[sflag:s13] =	ssyncset.done $0x0  }
0x4a: {  	[sflag:s13] =	ssyncadd.s32 $0xFFFFD8F0  }
0x4b: {  	[spmem:s2] =	stream.indirect.scatter.add.f32 [tilespmem:s14], [sflag:$0x1], $0x1, s4, s14, $0xb8;
	[tilespmem:$0x55A0] =	vst v63  }
0x4c: {  	_ =	swait.ge [sflag:s13], $0x2710  }
0x4d: {  	[sflag:s13] =	ssyncset.done $0x0  }
0x4e: {  	[sflag:s13] =	ssyncadd.s32 $0xFFFFD8F0  }
0x4f: {  	[tilespmem:s4], [sflag:$0x1] =	stream.linear.gather [hbm4b:s8+s4], $0x2710, $0x38;
	[tilespmem:$0x55A0] =	vst v63  }
0x50: {  	_ =	swait.ge [sflag:s13], $0x2710  }
0x51: {  	[sflag:s13] =	ssyncset.done $0x0  }
0x52: {  	[sflag:s13] =	ssyncadd.s32 $0xFFFFD8F0  }
0x53: {  	[spmem:s3] =	stream.indirect.scatter.add.f32 [tilespmem:s14], [sflag:$0x1], $0x1, s4, s14, $0xb8;
	[tilespmem:$0x55A0] =	vst v63  }
0x54: {  	_ =	swait.ge [sflag:s13], $0x2710  }
0x55: {  	[sflag:s13] =	ssyncset.done $0x0  }
0x56: {  	[sflag:s13] =	ssyncadd.s32 $0xFFFFD8F0  }
0x57: {  	[bflag:$0x0] =	sbarrier.arrive $0xFFFF  }
0x58: {  	[hbm:s9], [sflag:s15] =	dma.local [spmem:s16], $0x50  }
0x59: {  	s18 =	sadd.s32 $0x1, s18;
	_ =	swait.ge [sflag:s13], $0x50  }
0x5a: {  	p0 =	sne.s32 s18, s11;
	[sflag:s13] =	ssyncset.done $0x0  }
.Ltmp1:
0x5b: {  	[sflag:s13] =	ssyncadd.s32 $0xFFFFFFB0;
	(pc) =	sbr.rel @p0 .LBB2_1-.Ltmp1, $4  }
0x5c: {  	[hbm:s10], [sflag:s15] =	dma.local [spmem:s17], $0x50  }
0x5d: {  	_ =	swait.ge [sflag:s13], $0x50  }
0x5e: {  	[sflag:s13] =	ssyncset.done $0x0  }
0x5f: {  	[sflag:s13] =	ssyncadd.s32 $0xFFFFFFB0  }
0x60: {  	_ =	sfence.sel $0x180000  }
0x61: {  	[bflag:$0x0] =	sbarrier.arrive $0xFFFF  }
0x62: {  	p0 =	sne.s32 s1, $0x0;
	_ =	strace $0x90000047  }
0x63: {  	s0 =	sadd.s32 @!p0 $0x100000, s0;
	[bflag:$0x2] =	sbarrier.arrive $0xFFFF  }
0x64: {  	[sflag:s0] =	ssyncadd.tile.s32 @!p0 $0x1;
	_ =	shalt  }
.Lfunc_end2:
_tile_overlayer_lowered:
.L_overlay_start_2:
0x65: {  	(tag) =	ssettag $0x2  }
0x66: {  	s0 =	rddreg [dreg:$0x0];
	s2 =	stileid.u32  }
0x67: {  	s1 =	rddreg [dreg:$0x1];
	p0 =	sne.s32 s2, $0x0  }
0x68: {  	s3 =	rddreg [dreg:$0x2];
	[bflag:$0x3] =	sbarrier.arrive $0xFFFF;
	s2 =	simm.s32 @!p0 $0x1C01  }
0x69: {  	[timem:s3], [sflag:s2] =	dma.local @!p0 [hbm:s0], s1  }
0x6a: {  	s0 =	simm.s32 @!p0 $0x1  }
0x6b: {  	_ =	swait.ge @!p0 [sflag:s0], s1  }
0x6c: {  	s1 =	ssub.s32 @!p0 $0x0, s1;
	[sflag:s0] =	ssyncset.done @!p0 $0x0  }
0x6d: {  	[sflag:s0] =	ssyncadd.s32 @!p0 s1  }
0x6e: {  	[bflag:$0x3] =	sbarrier.arrive $0xFFFF  }
0x6f: {  	_ =	shalt  }

</sc_bundles>
